<compile_context>
chip_gen: v7x
topology: tpu7x:2x2x1
jax: 0.10.2.dev20260603
libtpu: 0.0.44.dev20260713+nightly
codegen_flags: <defaults>
</compile_context>

<pallas_src>
import functools

import jax
import jax.numpy as jnp
from jax import lax
from jax.experimental import pallas as pl
from jax.experimental.pallas import tpu as pltpu
from jax.experimental.pallas import tpu_sc as plsc

BATCH = 65536
FEAT = 256
NC = 2
NS = 16
L = 16
NW = NC * NS
RPW = BATCH // NW
C = 32
NBUF = 4
STEPS = RPW // C

_mesh = plsc.VectorSubcoreMesh(core_axis_name="c", subcore_axis_name="s")


@functools.partial(
    pl.kernel,
    mesh=_mesh,
    compiler_params=pltpu.CompilerParams(needs_layout_passes=False),
    out_type=jax.ShapeDtypeStruct((BATCH,), jnp.float32),
    scratch_types=[
        pltpu.VMEM((RPW,), jnp.int32),
        [pltpu.VMEM((C, FEAT), jnp.float32)] * NBUF,
        [pltpu.VMEM((C, FEAT), jnp.float32)] * NBUF,
        pltpu.VMEM((C,), jnp.float32),
        pltpu.VMEM((RPW,), jnp.float32),
        [pltpu.SemaphoreType.DMA] * NBUF,
        [pltpu.SemaphoreType.DMA] * NBUF,
    ],
)
def _sim_kernel(x_hbm, idx_hbm, out_hbm, idx_v, xbufs, gbufs, rowsum,
                outv, sxs, sgs):
    cid = lax.axis_index("c")
    sid = lax.axis_index("s")
    wid = sid * NC + cid
    base = wid * RPW

    pltpu.sync_copy(idx_hbm.at[pl.ds(base, RPW)], idx_v)

    def copies(s, b):
        r0 = base + s * C
        cpx = pltpu.make_async_copy(x_hbm.at[pl.ds(r0, C)], xbufs[b], sxs[b])
        cpg = pltpu.make_async_copy(
            x_hbm.at[idx_v.at[pl.ds(s * C, C)]], gbufs[b], sgs[b])
        return cpx, cpg

    def issue(s, b):
        cpx, cpg = copies(s, b)
        cpx.start()
        cpg.start()

    def compute(s, b):
        cpx, cpg = copies(s, b)
        cpx.wait()
        cpg.wait()

        mask_last = lax.iota(jnp.int32, L) == (L - 1)

        @plsc.parallel_loop(0, C)
        def _row(r):
            acc = jnp.zeros((L,), jnp.float32)
            for t in range(FEAT // L):
                a = xbufs[b][r, pl.ds(t * L, L)]
                p = gbufs[b][r, pl.ds(t * L, L)]
                acc = acc + jnp.abs(a - p)
            tot = plsc.cumsum(acc)
            plsc.store_scatter(rowsum, [jnp.full((L,), r, jnp.int32)], tot,
                               mask=mask_last)

        for g in range(C // L):
            v = rowsum[pl.ds(g * L, L)]
            outv[pl.ds(s * C + g * L, L)] = jnp.exp(-v)

    for b in range(NBUF - 1):
        issue(b, b)

    def ring(i, carry):
        s0 = NBUF * i
        for b in range(NBUF):
            s = s0 + b

            @pl.when(s + NBUF - 1 < STEPS)
            def _():
                issue(s + NBUF - 1, (b + NBUF - 1) % NBUF)

            compute(s, b)
        return carry

    lax.fori_loop(0, STEPS // NBUF, ring, 0)
    pltpu.sync_copy(outv, out_hbm.at[pl.ds(base, RPW)])


def kernel(x, idx):
    return _sim_kernel(x, idx).reshape(BATCH, 1)

# --- scband reference (transcript-rebuilt; emitter-appended) ---
"""Pipeline reference for scband-batch-similarity-84739704750554 (READ-ONLY COPY).

The authoritative reference and input builder live on the scoring server;
editing this copy changes nothing except your own understanding.
"""

import jax, jax.numpy as jnp
import numpy as np

BATCH = 65536
FEAT = 256

def setup_inputs(seed: int = 0) -> dict:
    key = jax.random.key(seed)
    k1, k2 = jax.random.split(key)
    x = jax.random.normal(k1, (BATCH, FEAT), dtype=jnp.float32)
    # The original layer draws a uniform random partner index per sample inside
    # call(); we materialize it as a deterministic input for reproducibility.
    idx = jax.random.randint(k2, (BATCH,), 0, BATCH, dtype=jnp.int32)
    return {"x": x, "idx": idx}

def _exp_l1(a, b):
    # gandlf 'exp_l1' similarity: exp(-sum(|a - b|, axis=-1))
    return jnp.exp(-jnp.sum(jnp.abs(a - b), axis=-1))

def reference(x, idx):
    # x_shuffled = K.gather(x, idx)
    x_shuffled = jnp.take(x, idx, axis=0)
    pair_sim = _exp_l1(x, x_shuffled)          # (batch,)
    pair_sim = jnp.expand_dims(pair_sim, axis=1)  # (batch, 1) -- ndim(x)-1 expand_dims
    sims = [pair_sim]                          # n=1, single similarity
    return jnp.concatenate(sims, axis=-1)      # (batch, 1)

if __name__ == "__main__":
    import jax
    _d = setup_inputs()
    print(jax.jit(kernel)(*tuple(_d.values())))

</pallas_src>

<mosaic_0001>
#map = affine_map<(d0, d1) -> (0, 0)>
#map1 = affine_map<(d0, d1) -> (0)>
module attributes {stable_mosaic.version = 14 : i64} {
  func.func @_sim_kernel(%arg0: i32, %arg1: i32, %arg2: memref<65536x256xf32, #tpu.memory_space<hbm>>, %arg3: memref<65536xi32, #tpu.memory_space<hbm>>, %arg4: memref<65536xf32, #tpu.memory_space<hbm>>, %arg5: memref<2048xi32, #tpu.memory_space<vmem>>, %arg6: memref<32x256xf32, #tpu.memory_space<vmem>>, %arg7: memref<32x256xf32, #tpu.memory_space<vmem>>, %arg8: memref<32x256xf32, #tpu.memory_space<vmem>>, %arg9: memref<32x256xf32, #tpu.memory_space<vmem>>, %arg10: memref<32x256xf32, #tpu.memory_space<vmem>>, %arg11: memref<32x256xf32, #tpu.memory_space<vmem>>, %arg12: memref<32x256xf32, #tpu.memory_space<vmem>>, %arg13: memref<32x256xf32, #tpu.memory_space<vmem>>, %arg14: memref<32xf32, #tpu.memory_space<vmem>>, %arg15: memref<2048xf32, #tpu.memory_space<vmem>>, %arg16: memref<!tpu.dma_semaphore, #tpu.memory_space<semaphore_mem>>, %arg17: memref<!tpu.dma_semaphore, #tpu.memory_space<semaphore_mem>>, %arg18: memref<!tpu.dma_semaphore, #tpu.memory_space<semaphore_mem>>, %arg19: memref<!tpu.dma_semaphore, #tpu.memory_space<semaphore_mem>>, %arg20: memref<!tpu.dma_semaphore, #tpu.memory_space<semaphore_mem>>, %arg21: memref<!tpu.dma_semaphore, #tpu.memory_space<semaphore_mem>>, %arg22: memref<!tpu.dma_semaphore, #tpu.memory_space<semaphore_mem>>, %arg23: memref<!tpu.dma_semaphore, #tpu.memory_space<semaphore_mem>>) attributes {dimension_semantics = [#tpu.dimension_semantics<core_parallel>, #tpu.dimension_semantics<subcore_parallel>], iteration_bounds = array<i64: 2, 16>, scalar_prefetch = 0 : i64, scratch_operands = 19 : i64, tpu.core_type = #tpu.core_type<sc_vector_subcore>, window_params = [{transform_indices = #map}, {transform_indices = #map1}, {transform_indices = #map1}]} {
    %mul3A = arith.constant 2 : i32
    %mul3A_0 = arith.muli %arg1, %mul3A : i32
    %add3A = arith.addi %mul3A_0, %arg0 : i32
    %mul3A_1 = arith.constant 2048 : i32
    %mul3A_2 = arith.muli %add3A, %mul3A_1 : i32
    "tpu.region"() ({
      %run_scoped3A = tpu.sem_alloc : memref<!tpu.dma_semaphore, #tpu.memory_space<semaphore_mem>>
      %dma_start3A_40 = tpu.memref_slice %arg3[%mul3A_2] : memref<65536xi32, #tpu.memory_space<hbm>> -> memref<2048xi32, #tpu.memory_space<hbm>>
      %dma_start3A_41 = tpu.memref_slice %arg3[%mul3A_2] : memref<65536xi32, #tpu.memory_space<hbm>> -> memref<2048xi32, #tpu.memory_space<hbm>>
      tpu.enqueue_dma source(%dma_start3A_41 : memref<2048xi32, #tpu.memory_space<hbm>>) target(%arg5 : memref<2048xi32, #tpu.memory_space<vmem>>) target_semaphore(%run_scoped3A : memref<!tpu.dma_semaphore, #tpu.memory_space<semaphore_mem>>)
      %dma_wait3A = tpu.memref_slice %arg3[%mul3A_2] : memref<65536xi32, #tpu.memory_space<hbm>> -> memref<2048xi32, #tpu.memory_space<hbm>>
      %dma_wait3A_42 = tpu.memref_slice %arg3[%mul3A_2] : memref<65536xi32, #tpu.memory_space<hbm>> -> memref<2048xi32, #tpu.memory_space<hbm>>
      tpu.wait_dma2 semaphore(%run_scoped3A : memref<!tpu.dma_semaphore, #tpu.memory_space<semaphore_mem>>) src(%dma_wait3A_42 : memref<2048xi32, #tpu.memory_space<hbm>>) dst(%arg5 : memref<2048xi32, #tpu.memory_space<vmem>>)
      tpu.yield
    }) : () -> ()
    %add3A_3 = arith.constant 0 : i32
    %add3A_4 = arith.addi %mul3A_2, %add3A_3 : i32
    %dma_start3A = arith.constant 0 : i32
    %dma_start3A_5 = tpu.memref_slice %arg2[%add3A_4, %dma_start3A] : memref<65536x256xf32, #tpu.memory_space<hbm>> -> memref<32x256xf32, #tpu.memory_space<hbm>>
    %dma_start3A_6 = arith.constant 0 : i32
    %dma_start3A_7 = tpu.memref_slice %arg2[%add3A_4, %dma_start3A_6] : memref<65536x256xf32, #tpu.memory_space<hbm>> -> memref<32x256xf32, #tpu.memory_space<hbm>>
    tpu.enqueue_dma source(%dma_start3A_7 : memref<32x256xf32, #tpu.memory_space<hbm>>) target(%arg6 : memref<32x256xf32, #tpu.memory_space<vmem>>) target_semaphore(%arg16 : memref<!tpu.dma_semaphore, #tpu.memory_space<semaphore_mem>>)
    %dma_start3A_8 = arith.constant 0 : i32
    %dma_start3A_9 = tpu.memref_slice %arg5[%dma_start3A_8] : memref<2048xi32, #tpu.memory_space<vmem>> -> memref<32xi32, #tpu.memory_space<vmem>>
    %dma_start3A_10 = arith.constant 0 : i32
    %dma_start3A_11 = arith.constant 0 : i32
    %dma_start3A_12 = tpu.memref_slice %arg2[%dma_start3A_10, %dma_start3A_11] : memref<65536x256xf32, #tpu.memory_space<hbm>> -> memref<65536x256xf32, #tpu.memory_space<hbm>>
    tpu.enqueue_indirect_dma source(%dma_start3A_12 : memref<65536x256xf32, #tpu.memory_space<hbm>>) target(%arg10 : memref<32x256xf32, #tpu.memory_space<vmem>>) offsets(%dma_start3A_9 : memref<32xi32, #tpu.memory_space<vmem>>) semaphore(%arg20 : memref<!tpu.dma_semaphore, #tpu.memory_space<semaphore_mem>>)
    %add3A_13 = arith.constant 32 : i32
    %add3A_14 = arith.addi %mul3A_2, %add3A_13 : i32
    %dma_start3A_15 = arith.constant 0 : i32
    %dma_start3A_16 = tpu.memref_slice %arg2[%add3A_14, %dma_start3A_15] : memref<65536x256xf32, #tpu.memory_space<hbm>> -> memref<32x256xf32, #tpu.memory_space<hbm>>
    %dma_start3A_17 = arith.constant 0 : i32
    %dma_start3A_18 = tpu.memref_slice %arg2[%add3A_14, %dma_start3A_17] : memref<65536x256xf32, #tpu.memory_space<hbm>> -> memref<32x256xf32, #tpu.memory_space<hbm>>
    tpu.enqueue_dma source(%dma_start3A_18 : memref<32x256xf32, #tpu.memory_space<hbm>>) target(%arg7 : memref<32x256xf32, #tpu.memory_space<vmem>>) target_semaphore(%arg17 : memref<!tpu.dma_semaphore, #tpu.memory_space<semaphore_mem>>)
    %dma_start3A_19 = arith.constant 32 : i32
    %dma_start3A_20 = tpu.memref_slice %arg5[%dma_start3A_19] : memref<2048xi32, #tpu.memory_space<vmem>> -> memref<32xi32, #tpu.memory_space<vmem>>
    %dma_start3A_21 = arith.constant 0 : i32
    %dma_start3A_22 = arith.constant 0 : i32
    %dma_start3A_23 = tpu.memref_slice %arg2[%dma_start3A_21, %dma_start3A_22] : memref<65536x256xf32, #tpu.memory_space<hbm>> -> memref<65536x256xf32, #tpu.memory_space<hbm>>
    tpu.enqueue_indirect_dma source(%dma_start3A_23 : memref<65536x256xf32, #tpu.memory_space<hbm>>) target(%arg11 : memref<32x256xf32, #tpu.memory_space<vmem>>) offsets(%dma_start3A_20 : memref<32xi32, #tpu.memory_space<vmem>>) semaphore(%arg21 : memref<!tpu.dma_semaphore, #tpu.memory_space<semaphore_mem>>)
    %add3A_24 = arith.constant 64 : i32
    %add3A_25 = arith.addi %mul3A_2, %add3A_24 : i32
    %dma_start3A_26 = arith.constant 0 : i32
    %dma_start3A_27 = tpu.memref_slice %arg2[%add3A_25, %dma_start3A_26] : memref<65536x256xf32, #tpu.memory_space<hbm>> -> memref<32x256xf32, #tpu.memory_space<hbm>>
    %dma_start3A_28 = arith.constant 0 : i32
    %dma_start3A_29 = tpu.memref_slice %arg2[%add3A_25, %dma_start3A_28] : memref<65536x256xf32, #tpu.memory_space<hbm>> -> memref<32x256xf32, #tpu.memory_space<hbm>>
    tpu.enqueue_dma source(%dma_start3A_29 : memref<32x256xf32, #tpu.memory_space<hbm>>) target(%arg8 : memref<32x256xf32, #tpu.memory_space<vmem>>) target_semaphore(%arg18 : memref<!tpu.dma_semaphore, #tpu.memory_space<semaphore_mem>>)
    %dma_start3A_30 = arith.constant 64 : i32
    %dma_start3A_31 = tpu.memref_slice %arg5[%dma_start3A_30] : memref<2048xi32, #tpu.memory_space<vmem>> -> memref<32xi32, #tpu.memory_space<vmem>>
    %dma_start3A_32 = arith.constant 0 : i32
    %dma_start3A_33 = arith.constant 0 : i32
    %dma_start3A_34 = tpu.memref_slice %arg2[%dma_start3A_32, %dma_start3A_33] : memref<65536x256xf32, #tpu.memory_space<hbm>> -> memref<65536x256xf32, #tpu.memory_space<hbm>>
    tpu.enqueue_indirect_dma source(%dma_start3A_34 : memref<65536x256xf32, #tpu.memory_space<hbm>>) target(%arg12 : memref<32x256xf32, #tpu.memory_space<vmem>>) offsets(%dma_start3A_31 : memref<32xi32, #tpu.memory_space<vmem>>) semaphore(%arg22 : memref<!tpu.dma_semaphore, #tpu.memory_space<semaphore_mem>>)
    %scan3A = arith.constant 0 : i32
    %scan3A_35 = arith.constant 0 : i32
    %scan3A_36 = arith.constant 16 : i32
    %scan3A_37 = arith.addi %scan3A_35, %scan3A_36 : i32
    %scan3A_38 = arith.constant 1 : i32
    scf.for %scan3A_40 = %scan3A_35 to %scan3A_37 step %scan3A_38  : i32 {
      %mul3A_41 = arith.constant 4 : i32
      %mul3A_42 = arith.muli %mul3A_41, %scan3A_40 : i32
      %add3A_43 = arith.constant 0 : i32
      %add3A_44 = arith.addi %mul3A_42, %add3A_43 : i32
      %add3A_45 = arith.constant 4 : i32
      %add3A_46 = arith.addi %add3A_44, %add3A_45 : i32
      %sub3A = arith.constant 1 : i32
      %sub3A_47 = arith.subi %add3A_46, %sub3A : i32
      %lt3A = arith.constant 64 : i32
      %lt3A_48 = arith.cmpi slt, %sub3A_47, %lt3A : i32
      %convert_element_type3A = arith.extui %lt3A_48 : i1 to i32
      %cond3A = arith.constant 0 : i32
      %cond3A_49 = arith.cmpi ne, %convert_element_type3A, %cond3A : i32
      scf.if %cond3A_49 {
        %add3A_251 = arith.constant 4 : i32
        %add3A_252 = arith.addi %add3A_44, %add3A_251 : i32
        %sub3A_253 = arith.constant 1 : i32
        %sub3A_254 = arith.subi %add3A_252, %sub3A_253 : i32
        %mul3A_255 = arith.constant 32 : i32
        %mul3A_256 = arith.muli %sub3A_254, %mul3A_255 : i32
        %add3A_257 = arith.addi %mul3A_2, %mul3A_256 : i32
        %mul3A_258 = arith.constant 32 : i32
        %mul3A_259 = arith.muli %sub3A_254, %mul3A_258 : i32
        %dma_start3A_260 = arith.constant 0 : i32
        %dma_start3A_261 = tpu.memref_slice %arg2[%add3A_257, %dma_start3A_260] : memref<65536x256xf32, #tpu.memory_space<hbm>> -> memref<32x256xf32, #tpu.memory_space<hbm>>
        %dma_start3A_262 = arith.constant 0 : i32
        %dma_start3A_263 = tpu.memref_slice %arg2[%add3A_257, %dma_start3A_262] : memref<65536x256xf32, #tpu.memory_space<hbm>> -> memref<32x256xf32, #tpu.memory_space<hbm>>
        tpu.enqueue_dma source(%dma_start3A_263 : memref<32x256xf32, #tpu.memory_space<hbm>>) target(%arg9 : memref<32x256xf32, #tpu.memory_space<vmem>>) target_semaphore(%arg19 : memref<!tpu.dma_semaphore, #tpu.memory_space<semaphore_mem>>)
        %dma_start3A_264 = tpu.memref_slice %arg5[%mul3A_259] : memref<2048xi32, #tpu.memory_space<vmem>> -> memref<32xi32, #tpu.memory_space<vmem>>
        %dma_start3A_265 = arith.constant 0 : i32
        %dma_start3A_266 = arith.constant 0 : i32
        %dma_start3A_267 = tpu.memref_slice %arg2[%dma_start3A_265, %dma_start3A_266] : memref<65536x256xf32, #tpu.memory_space<hbm>> -> memref<65536x256xf32, #tpu.memory_space<hbm>>
        tpu.enqueue_indirect_dma source(%dma_start3A_267 : memref<65536x256xf32, #tpu.memory_space<hbm>>) target(%arg13 : memref<32x256xf32, #tpu.memory_space<vmem>>) offsets(%dma_start3A_264 : memref<32xi32, #tpu.memory_space<vmem>>) semaphore(%arg23 : memref<!tpu.dma_semaphore, #tpu.memory_space<semaphore_mem>>)
      } else {
      }
      %mul3A_50 = arith.constant 32 : i32
      %mul3A_51 = arith.muli %add3A_44, %mul3A_50 : i32
      %add3A_52 = arith.addi %mul3A_2, %mul3A_51 : i32
      %mul3A_53 = arith.constant 32 : i32
      %mul3A_54 = arith.muli %add3A_44, %mul3A_53 : i32
      %dma_wait3A = arith.constant 0 : i32
      %dma_wait3A_55 = tpu.memref_slice %arg2[%add3A_52, %dma_wait3A] : memref<65536x256xf32, #tpu.memory_space<hbm>> -> memref<32x256xf32, #tpu.memory_space<hbm>>
      %dma_wait3A_56 = arith.constant 0 : i32
      %dma_wait3A_57 = tpu.memref_slice %arg2[%add3A_52, %dma_wait3A_56] : memref<65536x256xf32, #tpu.memory_space<hbm>> -> memref<32x256xf32, #tpu.memory_space<hbm>>
      tpu.wait_dma2 semaphore(%arg16 : memref<!tpu.dma_semaphore, #tpu.memory_space<semaphore_mem>>) src(%dma_wait3A_57 : memref<32x256xf32, #tpu.memory_space<hbm>>) dst(%arg6 : memref<32x256xf32, #tpu.memory_space<vmem>>)
      %dma_wait3A_58 = tpu.memref_slice %arg5[%mul3A_54] : memref<2048xi32, #tpu.memory_space<vmem>> -> memref<32xi32, #tpu.memory_space<vmem>>
      %dma_wait3A_59 = arith.constant 0 : i32
      %dma_wait3A_60 = arith.constant 0 : i32
      %dma_wait3A_61 = tpu.memref_slice %arg2[%dma_wait3A_59, %dma_wait3A_60] : memref<65536x256xf32, #tpu.memory_space<hbm>> -> memref<65536x256xf32, #tpu.memory_space<hbm>>
      tpu.wait_indirect_dma semaphore(%arg20 : memref<!tpu.dma_semaphore, #tpu.memory_space<semaphore_mem>>) src(%dma_wait3A_61 : memref<65536x256xf32, #tpu.memory_space<hbm>>) dst(%arg10 : memref<32x256xf32, #tpu.memory_space<vmem>>)
      %iota3A = tpu.iota {dimensions = array<i32: 0>} : vector<16xi32>
      %eq3A = arith.constant 15 : i32
      %eq3A_62 = vector.broadcast %eq3A : i32 to vector<16xi32>
      %eq3A_63 = arith.cmpi eq, %iota3A, %eq3A_62 : vector<16xi32>
      %parallel_loop3A = arith.constant 0 : i32
      %parallel_loop3A_64 = arith.constant 32 : i32
      %parallel_loop3A_65 = arith.constant 1 : i32
      scf.for %parallel_loop3A_251 = %parallel_loop3A to %parallel_loop3A_64 step %parallel_loop3A_65  : i32 {
        %parallel_loop3A_252 = arith.constant 0.000000e+00 : f32
        %parallel_loop3A_253 = vector.broadcast %parallel_loop3A_252 : f32 to vector<16xf32>
        %parallel_loop3A_254 = arith.index_cast %parallel_loop3A_251 : i32 to index
        %parallel_loop3A_255 = arith.constant 0 : index
        %parallel_loop3A_256 = tpu.vector_load %arg6[%parallel_loop3A_254, %parallel_loop3A_255] {strides = array<i32>} : memref<32x256xf32, #tpu.memory_space<vmem>>, vector<16xf32>,
        %parallel_loop3A_257 = arith.index_cast %parallel_loop3A_251 : i32 to index
        %parallel_loop3A_258 = arith.constant 0 : index
        %parallel_loop3A_259 = tpu.vector_load %arg10[%parallel_loop3A_257, %parallel_loop3A_258] {strides = array<i32>} : memref<32x256xf32, #tpu.memory_space<vmem>>, vector<16xf32>,
        %parallel_loop3A_260 = arith.subf %parallel_loop3A_256, %parallel_loop3A_259 : vector<16xf32>
        %parallel_loop3A_261 = math.absf %parallel_loop3A_260 : vector<16xf32>
        %parallel_loop3A_262 = arith.addf %parallel_loop3A_253, %parallel_loop3A_261 : vector<16xf32>
        %parallel_loop3A_263 = arith.index_cast %parallel_loop3A_251 : i32 to index
        %parallel_loop3A_264 = arith.constant 16 : index
        %parallel_loop3A_265 = tpu.vector_load %arg6[%parallel_loop3A_263, %parallel_loop3A_264] {strides = array<i32>} : memref<32x256xf32, #tpu.memory_space<vmem>>, vector<16xf32>,
        %parallel_loop3A_266 = arith.index_cast %parallel_loop3A_251 : i32 to index
        %parallel_loop3A_267 = arith.constant 16 : index
        %parallel_loop3A_268 = tpu.vector_load %arg10[%parallel_loop3A_266, %parallel_loop3A_267] {strides = array<i32>} : memref<32x256xf32, #tpu.memory_space<vmem>>, vector<16xf32>,
        %parallel_loop3A_269 = arith.subf %parallel_loop3A_265, %parallel_loop3A_268 : vector<16xf32>
        %parallel_loop3A_270 = math.absf %parallel_loop3A_269 : vector<16xf32>
        %parallel_loop3A_271 = arith.addf %parallel_loop3A_262, %parallel_loop3A_270 : vector<16xf32>
        %parallel_loop3A_272 = arith.index_cast %parallel_loop3A_251 : i32 to index
        %parallel_loop3A_273 = arith.constant 32 : index
        %parallel_loop3A_274 = tpu.vector_load %arg6[%parallel_loop3A_272, %parallel_loop3A_273] {strides = array<i32>} : memref<32x256xf32, #tpu.memory_space<vmem>>, vector<16xf32>,
        %parallel_loop3A_275 = arith.index_cast %parallel_loop3A_251 : i32 to index
        %parallel_loop3A_276 = arith.constant 32 : index
        %parallel_loop3A_277 = tpu.vector_load %arg10[%parallel_loop3A_275, %parallel_loop3A_276] {strides = array<i32>} : memref<32x256xf32, #tpu.memory_space<vmem>>, vector<16xf32>,
        %parallel_loop3A_278 = arith.subf %parallel_loop3A_274, %parallel_loop3A_277 : vector<16xf32>
        %parallel_loop3A_279 = math.absf %parallel_loop3A_278 : vector<16xf32>
        %parallel_loop3A_280 = arith.addf %parallel_loop3A_271, %parallel_loop3A_279 : vector<16xf32>
        %parallel_loop3A_281 = arith.index_cast %parallel_loop3A_251 : i32 to index
        %parallel_loop3A_282 = arith.constant 48 : index
        %parallel_loop3A_283 = tpu.vector_load %arg6[%parallel_loop3A_281, %parallel_loop3A_282] {strides = array<i32>} : memref<32x256xf32, #tpu.memory_space<vmem>>, vector<16xf32>,
        %parallel_loop3A_284 = arith.index_cast %parallel_loop3A_251 : i32 to index
        %parallel_loop3A_285 = arith.constant 48 : index
        %parallel_loop3A_286 = tpu.vector_load %arg10[%parallel_loop3A_284, %parallel_loop3A_285] {strides = array<i32>} : memref<32x256xf32, #tpu.memory_space<vmem>>, vector<16xf32>,
        %parallel_loop3A_287 = arith.subf %parallel_loop3A_283, %parallel_loop3A_286 : vector<16xf32>
        %parallel_loop3A_288 = math.absf %parallel_loop3A_287 : vector<16xf32>
        %parallel_loop3A_289 = arith.addf %parallel_loop3A_280, %parallel_loop3A_288 : vector<16xf32>
        %parallel_loop3A_290 = arith.index_cast %parallel_loop3A_251 : i32 to index
        %parallel_loop3A_291 = arith.constant 64 : index
        %parallel_loop3A_292 = tpu.vector_load %arg6[%parallel_loop3A_290, %parallel_loop3A_291] {strides = array<i32>} : memref<32x256xf32, #tpu.memory_space<vmem>>, vector<16xf32>,
        %parallel_loop3A_293 = arith.index_cast %parallel_loop3A_251 : i32 to index
        %parallel_loop3A_294 = arith.constant 64 : index
        %parallel_loop3A_295 = tpu.vector_load %arg10[%parallel_loop3A_293, %parallel_loop3A_294] {strides = array<i32>} : memref<32x256xf32, #tpu.memory_space<vmem>>, vector<16xf32>,
        %parallel_loop3A_296 = arith.subf %parallel_loop3A_292, %parallel_loop3A_295 : vector<16xf32>
        %parallel_loop3A_297 = math.absf %parallel_loop3A_296 : vector<16xf32>
        %parallel_loop3A_298 = arith.addf %parallel_loop3A_289, %parallel_loop3A_297 : vector<16xf32>
        %parallel_loop3A_299 = arith.index_cast %parallel_loop3A_251 : i32 to index
        %parallel_loop3A_300 = arith.constant 80 : index
        %parallel_loop3A_301 = tpu.vector_load %arg6[%parallel_loop3A_299, %parallel_loop3A_300] {strides = array<i32>} : memref<32x256xf32, #tpu.memory_space<vmem>>, vector<16xf32>,
        %parallel_loop3A_302 = arith.index_cast %parallel_loop3A_251 : i32 to index
        %parallel_loop3A_303 = arith.constant 80 : index
        %parallel_loop3A_304 = tpu.vector_load %arg10[%parallel_loop3A_302, %parallel_loop3A_303] {strides = array<i32>} : memref<32x256xf32, #tpu.memory_space<vmem>>, vector<16xf32>,
        %parallel_loop3A_305 = arith.subf %parallel_loop3A_301, %parallel_loop3A_304 : vector<16xf32>
        %parallel_loop3A_306 = math.absf %parallel_loop3A_305 : vector<16xf32>
        %parallel_loop3A_307 = arith.addf %parallel_loop3A_298, %parallel_loop3A_306 : vector<16xf32>
        %parallel_loop3A_308 = arith.index_cast %parallel_loop3A_251 : i32 to index
        %parallel_loop3A_309 = arith.constant 96 : index
        %parallel_loop3A_310 = tpu.vector_load %arg6[%parallel_loop3A_308, %parallel_loop3A_309] {strides = array<i32>} : memref<32x256xf32, #tpu.memory_space<vmem>>, vector<16xf32>,
        %parallel_loop3A_311 = arith.index_cast %parallel_loop3A_251 : i32 to index
        %parallel_loop3A_312 = arith.constant 96 : index
        %parallel_loop3A_313 = tpu.vector_load %arg10[%parallel_loop3A_311, %parallel_loop3A_312] {strides = array<i32>} : memref<32x256xf32, #tpu.memory_space<vmem>>, vector<16xf32>,
        %parallel_loop3A_314 = arith.subf %parallel_loop3A_310, %parallel_loop3A_313 : vector<16xf32>
        %parallel_loop3A_315 = math.absf %parallel_loop3A_314 : vector<16xf32>
        %parallel_loop3A_316 = arith.addf %parallel_loop3A_307, %parallel_loop3A_315 : vector<16xf32>
        %parallel_loop3A_317 = arith.index_cast %parallel_loop3A_251 : i32 to index
        %parallel_loop3A_318 = arith.constant 112 : index
        %parallel_loop3A_319 = tpu.vector_load %arg6[%parallel_loop3A_317, %parallel_loop3A_318] {strides = array<i32>} : memref<32x256xf32, #tpu.memory_space<vmem>>, vector<16xf32>,
        %parallel_loop3A_320 = arith.index_cast %parallel_loop3A_251 : i32 to index
        %parallel_loop3A_321 = arith.constant 112 : index
        %parallel_loop3A_322 = tpu.vector_load %arg10[%parallel_loop3A_320, %parallel_loop3A_321] {strides = array<i32>} : memref<32x256xf32, #tpu.memory_space<vmem>>, vector<16xf32>,
        %parallel_loop3A_323 = arith.subf %parallel_loop3A_319, %parallel_loop3A_322 : vector<16xf32>
        %parallel_loop3A_324 = math.absf %parallel_loop3A_323 : vector<16xf32>
        %parallel_loop3A_325 = arith.addf %parallel_loop3A_316, %parallel_loop3A_324 : vector<16xf32>
        %parallel_loop3A_326 = arith.index_cast %parallel_loop3A_251 : i32 to index
        %parallel_loop3A_327 = arith.constant 128 : index
        %parallel_loop3A_328 = tpu.vector_load %arg6[%parallel_loop3A_326, %parallel_loop3A_327] {strides = array<i32>} : memref<32x256xf32, #tpu.memory_space<vmem>>, vector<16xf32>,
        %parallel_loop3A_329 = arith.index_cast %parallel_loop3A_251 : i32 to index
        %parallel_loop3A_330 = arith.constant 128 : index
        %parallel_loop3A_331 = tpu.vector_load %arg10[%parallel_loop3A_329, %parallel_loop3A_330] {strides = array<i32>} : memref<32x256xf32, #tpu.memory_space<vmem>>, vector<16xf32>,
        %parallel_loop3A_332 = arith.subf %parallel_loop3A_328, %parallel_loop3A_331 : vector<16xf32>
        %parallel_loop3A_333 = math.absf %parallel_loop3A_332 : vector<16xf32>
        %parallel_loop3A_334 = arith.addf %parallel_loop3A_325, %parallel_loop3A_333 : vector<16xf32>
        %parallel_loop3A_335 = arith.index_cast %parallel_loop3A_251 : i32 to index
        %parallel_loop3A_336 = arith.constant 144 : index
        %parallel_loop3A_337 = tpu.vector_load %arg6[%parallel_loop3A_335, %parallel_loop3A_336] {strides = array<i32>} : memref<32x256xf32, #tpu.memory_space<vmem>>, vector<16xf32>,
        %parallel_loop3A_338 = arith.index_cast %parallel_loop3A_251 : i32 to index
        %parallel_loop3A_339 = arith.constant 144 : index
        %parallel_loop3A_340 = tpu.vector_load %arg10[%parallel_loop3A_338, %parallel_loop3A_339] {strides = array<i32>} : memref<32x256xf32, #tpu.memory_space<vmem>>, vector<16xf32>,
        %parallel_loop3A_341 = arith.subf %parallel_loop3A_337, %parallel_loop3A_340 : vector<16xf32>
        %parallel_loop3A_342 = math.absf %parallel_loop3A_341 : vector<16xf32>
        %parallel_loop3A_343 = arith.addf %parallel_loop3A_334, %parallel_loop3A_342 : vector<16xf32>
        %parallel_loop3A_344 = arith.index_cast %parallel_loop3A_251 : i32 to index
        %parallel_loop3A_345 = arith.constant 160 : index
        %parallel_loop3A_346 = tpu.vector_load %arg6[%parallel_loop3A_344, %parallel_loop3A_345] {strides = array<i32>} : memref<32x256xf32, #tpu.memory_space<vmem>>, vector<16xf32>,
        %parallel_loop3A_347 = arith.index_cast %parallel_loop3A_251 : i32 to index
        %parallel_loop3A_348 = arith.constant 160 : index
        %parallel_loop3A_349 = tpu.vector_load %arg10[%parallel_loop3A_347, %parallel_loop3A_348] {strides = array<i32>} : memref<32x256xf32, #tpu.memory_space<vmem>>, vector<16xf32>,
        %parallel_loop3A_350 = arith.subf %parallel_loop3A_346, %parallel_loop3A_349 : vector<16xf32>
        %parallel_loop3A_351 = math.absf %parallel_loop3A_350 : vector<16xf32>
        %parallel_loop3A_352 = arith.addf %parallel_loop3A_343, %parallel_loop3A_351 : vector<16xf32>
        %parallel_loop3A_353 = arith.index_cast %parallel_loop3A_251 : i32 to index
        %parallel_loop3A_354 = arith.constant 176 : index
        %parallel_loop3A_355 = tpu.vector_load %arg6[%parallel_loop3A_353, %parallel_loop3A_354] {strides = array<i32>} : memref<32x256xf32, #tpu.memory_space<vmem>>, vector<16xf32>,
        %parallel_loop3A_356 = arith.index_cast %parallel_loop3A_251 : i32 to index
        %parallel_loop3A_357 = arith.constant 176 : index
        %parallel_loop3A_358 = tpu.vector_load %arg10[%parallel_loop3A_356, %parallel_loop3A_357] {strides = array<i32>} : memref<32x256xf32, #tpu.memory_space<vmem>>, vector<16xf32>,
        %parallel_loop3A_359 = arith.subf %parallel_loop3A_355, %parallel_loop3A_358 : vector<16xf32>
        %parallel_loop3A_360 = math.absf %parallel_loop3A_359 : vector<16xf32>
        %parallel_loop3A_361 = arith.addf %parallel_loop3A_352, %parallel_loop3A_360 : vector<16xf32>
        %parallel_loop3A_362 = arith.index_cast %parallel_loop3A_251 : i32 to index
        %parallel_loop3A_363 = arith.constant 192 : index
        %parallel_loop3A_364 = tpu.vector_load %arg6[%parallel_loop3A_362, %parallel_loop3A_363] {strides = array<i32>} : memref<32x256xf32, #tpu.memory_space<vmem>>, vector<16xf32>,
        %parallel_loop3A_365 = arith.index_cast %parallel_loop3A_251 : i32 to index
        %parallel_loop3A_366 = arith.constant 192 : index
        %parallel_loop3A_367 = tpu.vector_load %arg10[%parallel_loop3A_365, %parallel_loop3A_366] {strides = array<i32>} : memref<32x256xf32, #tpu.memory_space<vmem>>, vector<16xf32>,
        %parallel_loop3A_368 = arith.subf %parallel_loop3A_364, %parallel_loop3A_367 : vector<16xf32>
        %parallel_loop3A_369 = math.absf %parallel_loop3A_368 : vector<16xf32>
        %parallel_loop3A_370 = arith.addf %parallel_loop3A_361, %parallel_loop3A_369 : vector<16xf32>
        %parallel_loop3A_371 = arith.index_cast %parallel_loop3A_251 : i32 to index
        %parallel_loop3A_372 = arith.constant 208 : index
        %parallel_loop3A_373 = tpu.vector_load %arg6[%parallel_loop3A_371, %parallel_loop3A_372] {strides = array<i32>} : memref<32x256xf32, #tpu.memory_space<vmem>>, vector<16xf32>,
        %parallel_loop3A_374 = arith.index_cast %parallel_loop3A_251 : i32 to index
        %parallel_loop3A_375 = arith.constant 208 : index
        %parallel_loop3A_376 = tpu.vector_load %arg10[%parallel_loop3A_374, %parallel_loop3A_375] {strides = array<i32>} : memref<32x256xf32, #tpu.memory_space<vmem>>, vector<16xf32>,
        %parallel_loop3A_377 = arith.subf %parallel_loop3A_373, %parallel_loop3A_376 : vector<16xf32>
        %parallel_loop3A_378 = math.absf %parallel_loop3A_377 : vector<16xf32>
        %parallel_loop3A_379 = arith.addf %parallel_loop3A_370, %parallel_loop3A_378 : vector<16xf32>
        %parallel_loop3A_380 = arith.index_cast %parallel_loop3A_251 : i32 to index
        %parallel_loop3A_381 = arith.constant 224 : index
        %parallel_loop3A_382 = tpu.vector_load %arg6[%parallel_loop3A_380, %parallel_loop3A_381] {strides = array<i32>} : memref<32x256xf32, #tpu.memory_space<vmem>>, vector<16xf32>,
        %parallel_loop3A_383 = arith.index_cast %parallel_loop3A_251 : i32 to index
        %parallel_loop3A_384 = arith.constant 224 : index
        %parallel_loop3A_385 = tpu.vector_load %arg10[%parallel_loop3A_383, %parallel_loop3A_384] {strides = array<i32>} : memref<32x256xf32, #tpu.memory_space<vmem>>, vector<16xf32>,
        %parallel_loop3A_386 = arith.subf %parallel_loop3A_382, %parallel_loop3A_385 : vector<16xf32>
        %parallel_loop3A_387 = math.absf %parallel_loop3A_386 : vector<16xf32>
        %parallel_loop3A_388 = arith.addf %parallel_loop3A_379, %parallel_loop3A_387 : vector<16xf32>
        %parallel_loop3A_389 = arith.index_cast %parallel_loop3A_251 : i32 to index
        %parallel_loop3A_390 = arith.constant 240 : index
        %parallel_loop3A_391 = tpu.vector_load %arg6[%parallel_loop3A_389, %parallel_loop3A_390] {strides = array<i32>} : memref<32x256xf32, #tpu.memory_space<vmem>>, vector<16xf32>,
        %parallel_loop3A_392 = arith.index_cast %parallel_loop3A_251 : i32 to index
        %parallel_loop3A_393 = arith.constant 240 : index
        %parallel_loop3A_394 = tpu.vector_load %arg10[%parallel_loop3A_392, %parallel_loop3A_393] {strides = array<i32>} : memref<32x256xf32, #tpu.memory_space<vmem>>, vector<16xf32>,
        %parallel_loop3A_395 = arith.subf %parallel_loop3A_391, %parallel_loop3A_394 : vector<16xf32>
        %parallel_loop3A_396 = math.absf %parallel_loop3A_395 : vector<16xf32>
        %parallel_loop3A_397 = arith.addf %parallel_loop3A_388, %parallel_loop3A_396 : vector<16xf32>
        %parallel_loop3A_398 = arith.constant true
        %parallel_loop3A_399 = vector.broadcast %parallel_loop3A_398 : i1 to vector<16xi1>
        %parallel_loop3A_400 = tpu.scan <sum>, %parallel_loop3A_397 masked %parallel_loop3A_399 : vector<16xf32>, vector<16xi1> -> vector<16xf32>
        %parallel_loop3A_401 = vector.broadcast %parallel_loop3A_251 : i32 to vector<16xi32>
        tpu.vector_store_idx %arg14[%parallel_loop3A_401], %parallel_loop3A_400 masked %eq3A_63 : memref<32xf32, #tpu.memory_space<vmem>>[vector<16xi32>], vector<16xf32>, vector<16xi1>
      } {sc.loop_unroll_factor = 1 : i64, sc.parallel_access}
      %get3A = arith.constant 0 : index
      %get3A_66 = tpu.vector_load %arg14[%get3A] {strides = array<i32>} : memref<32xf32, #tpu.memory_space<vmem>>, vector<16xf32>,
      %neg3A = arith.constant 0.000000e+00 : f32
      %neg3A_67 = vector.broadcast %neg3A : f32 to vector<16xf32>
      %neg3A_68 = arith.subf %neg3A_67, %get3A_66 : vector<16xf32>
      %exp3A = math.exp %neg3A_68 : vector<16xf32>
      %mul3A_69 = arith.constant 32 : i32
      %mul3A_70 = arith.muli %add3A_44, %mul3A_69 : i32
      %add3A_71 = arith.constant 0 : i32
      %add3A_72 = arith.addi %mul3A_70, %add3A_71 : i32
      %swap3A = arith.index_cast %add3A_72 : i32 to index
      %swap3A_73 = tpu.vector_load %arg15[%swap3A] {strides = array<i32>} : memref<2048xf32, #tpu.memory_space<vmem>>, vector<16xf32>,
      tpu.vector_store %arg15[%swap3A], %exp3A {strides = array<i32>} : memref<2048xf32, #tpu.memory_space<vmem>>, vector<16xf32>,
      %get3A_74 = arith.constant 16 : index
      %get3A_75 = tpu.vector_load %arg14[%get3A_74] {strides = array<i32>} : memref<32xf32, #tpu.memory_space<vmem>>, vector<16xf32>,
      %neg3A_76 = arith.constant 0.000000e+00 : f32
      %neg3A_77 = vector.broadcast %neg3A_76 : f32 to vector<16xf32>
      %neg3A_78 = arith.subf %neg3A_77, %get3A_75 : vector<16xf32>
      %exp3A_79 = math.exp %neg3A_78 : vector<16xf32>
      %mul3A_80 = arith.constant 32 : i32
      %mul3A_81 = arith.muli %add3A_44, %mul3A_80 : i32
      %add3A_82 = arith.constant 16 : i32
      %add3A_83 = arith.addi %mul3A_81, %add3A_82 : i32
      %swap3A_84 = arith.index_cast %add3A_83 : i32 to index
      %swap3A_85 = tpu.vector_load %arg15[%swap3A_84] {strides = array<i32>} : memref<2048xf32, #tpu.memory_space<vmem>>, vector<16xf32>,
      tpu.vector_store %arg15[%swap3A_84], %exp3A_79 {strides = array<i32>} : memref<2048xf32, #tpu.memory_space<vmem>>, vector<16xf32>,
      %add3A_86 = arith.constant 1 : i32
      %add3A_87 = arith.addi %mul3A_42, %add3A_86 : i32
      %add3A_88 = arith.constant 4 : i32
      %add3A_89 = arith.addi %add3A_87, %add3A_88 : i32
      %sub3A_90 = arith.constant 1 : i32
      %sub3A_91 = arith.subi %add3A_89, %sub3A_90 : i32
      %lt3A_92 = arith.constant 64 : i32
      %lt3A_93 = arith.cmpi slt, %sub3A_91, %lt3A_92 : i32
      %convert_element_type3A_94 = arith.extui %lt3A_93 : i1 to i32
      %cond3A_95 = arith.constant 0 : i32
      %cond3A_96 = arith.cmpi ne, %convert_element_type3A_94, %cond3A_95 : i32
      scf.if %cond3A_96 {
        %add3A_251 = arith.constant 4 : i32
        %add3A_252 = arith.addi %add3A_87, %add3A_251 : i32
        %sub3A_253 = arith.constant 1 : i32
        %sub3A_254 = arith.subi %add3A_252, %sub3A_253 : i32
        %mul3A_255 = arith.constant 32 : i32
        %mul3A_256 = arith.muli %sub3A_254, %mul3A_255 : i32
        %add3A_257 = arith.addi %mul3A_2, %mul3A_256 : i32
        %mul3A_258 = arith.constant 32 : i32
        %mul3A_259 = arith.muli %sub3A_254, %mul3A_258 : i32
        %dma_start3A_260 = arith.constant 0 : i32
        %dma_start3A_261 = tpu.memref_slice %arg2[%add3A_257, %dma_start3A_260] : memref<65536x256xf32, #tpu.memory_space<hbm>> -> memref<32x256xf32, #tpu.memory_space<hbm>>
        %dma_start3A_262 = arith.constant 0 : i32
        %dma_start3A_263 = tpu.memref_slice %arg2[%add3A_257, %dma_start3A_262] : memref<65536x256xf32, #tpu.memory_space<hbm>> -> memref<32x256xf32, #tpu.memory_space<hbm>>
        tpu.enqueue_dma source(%dma_start3A_263 : memref<32x256xf32, #tpu.memory_space<hbm>>) target(%arg6 : memref<32x256xf32, #tpu.memory_space<vmem>>) target_semaphore(%arg16 : memref<!tpu.dma_semaphore, #tpu.memory_space<semaphore_mem>>)
        %dma_start3A_264 = tpu.memref_slice %arg5[%mul3A_259] : memref<2048xi32, #tpu.memory_space<vmem>> -> memref<32xi32, #tpu.memory_space<vmem>>
        %dma_start3A_265 = arith.constant 0 : i32
        %dma_start3A_266 = arith.constant 0 : i32
        %dma_start3A_267 = tpu.memref_slice %arg2[%dma_start3A_265, %dma_start3A_266] : memref<65536x256xf32, #tpu.memory_space<hbm>> -> memref<65536x256xf32, #tpu.memory_space<hbm>>
        tpu.enqueue_indirect_dma source(%dma_start3A_267 : memref<65536x256xf32, #tpu.memory_space<hbm>>) target(%arg10 : memref<32x256xf32, #tpu.memory_space<vmem>>) offsets(%dma_start3A_264 : memref<32xi32, #tpu.memory_space<vmem>>) semaphore(%arg20 : memref<!tpu.dma_semaphore, #tpu.memory_space<semaphore_mem>>)
      } else {
      }
      %mul3A_97 = arith.constant 32 : i32
      %mul3A_98 = arith.muli %add3A_87, %mul3A_97 : i32
      %add3A_99 = arith.addi %mul3A_2, %mul3A_98 : i32
      %mul3A_100 = arith.constant 32 : i32
      %mul3A_101 = arith.muli %add3A_87, %mul3A_100 : i32
      %dma_wait3A_102 = arith.constant 0 : i32
      %dma_wait3A_103 = tpu.memref_slice %arg2[%add3A_99, %dma_wait3A_102] : memref<65536x256xf32, #tpu.memory_space<hbm>> -> memref<32x256xf32, #tpu.memory_space<hbm>>
      %dma_wait3A_104 = arith.constant 0 : i32
      %dma_wait3A_105 = tpu.memref_slice %arg2[%add3A_99, %dma_wait3A_104] : memref<65536x256xf32, #tpu.memory_space<hbm>> -> memref<32x256xf32, #tpu.memory_space<hbm>>
      tpu.wait_dma2 semaphore(%arg17 : memref<!tpu.dma_semaphore, #tpu.memory_space<semaphore_mem>>) src(%dma_wait3A_105 : memref<32x256xf32, #tpu.memory_space<hbm>>) dst(%arg7 : memref<32x256xf32, #tpu.memory_space<vmem>>)
      %dma_wait3A_106 = tpu.memref_slice %arg5[%mul3A_101] : memref<2048xi32, #tpu.memory_space<vmem>> -> memref<32xi32, #tpu.memory_space<vmem>>
      %dma_wait3A_107 = arith.constant 0 : i32
      %dma_wait3A_108 = arith.constant 0 : i32
      %dma_wait3A_109 = tpu.memref_slice %arg2[%dma_wait3A_107, %dma_wait3A_108] : memref<65536x256xf32, #tpu.memory_space<hbm>> -> memref<65536x256xf32, #tpu.memory_space<hbm>>
      tpu.wait_indirect_dma semaphore(%arg21 : memref<!tpu.dma_semaphore, #tpu.memory_space<semaphore_mem>>) src(%dma_wait3A_109 : memref<65536x256xf32, #tpu.memory_space<hbm>>) dst(%arg11 : memref<32x256xf32, #tpu.memory_space<vmem>>)
      %iota3A_110 = tpu.iota {dimensions = array<i32: 0>} : vector<16xi32>
      %eq3A_111 = arith.constant 15 : i32
      %eq3A_112 = vector.broadcast %eq3A_111 : i32 to vector<16xi32>
      %eq3A_113 = arith.cmpi eq, %iota3A_110, %eq3A_112 : vector<16xi32>
      %parallel_loop3A_114 = arith.constant 0 : i32
      %parallel_loop3A_115 = arith.constant 32 : i32
      %parallel_loop3A_116 = arith.constant 1 : i32
      scf.for %parallel_loop3A_251 = %parallel_loop3A_114 to %parallel_loop3A_115 step %parallel_loop3A_116  : i32 {
        %parallel_loop3A_252 = arith.constant 0.000000e+00 : f32
        %parallel_loop3A_253 = vector.broadcast %parallel_loop3A_252 : f32 to vector<16xf32>
        %parallel_loop3A_254 = arith.index_cast %parallel_loop3A_251 : i32 to index
        %parallel_loop3A_255 = arith.constant 0 : index
        %parallel_loop3A_256 = tpu.vector_load %arg7[%parallel_loop3A_254, %parallel_loop3A_255] {strides = array<i32>} : memref<32x256xf32, #tpu.memory_space<vmem>>, vector<16xf32>,
        %parallel_loop3A_257 = arith.index_cast %parallel_loop3A_251 : i32 to index
        %parallel_loop3A_258 = arith.constant 0 : index
        %parallel_loop3A_259 = tpu.vector_load %arg11[%parallel_loop3A_257, %parallel_loop3A_258] {strides = array<i32>} : memref<32x256xf32, #tpu.memory_space<vmem>>, vector<16xf32>,
        %parallel_loop3A_260 = arith.subf %parallel_loop3A_256, %parallel_loop3A_259 : vector<16xf32>
        %parallel_loop3A_261 = math.absf %parallel_loop3A_260 : vector<16xf32>
        %parallel_loop3A_262 = arith.addf %parallel_loop3A_253, %parallel_loop3A_261 : vector<16xf32>
        %parallel_loop3A_263 = arith.index_cast %parallel_loop3A_251 : i32 to index
        %parallel_loop3A_264 = arith.constant 16 : index
        %parallel_loop3A_265 = tpu.vector_load %arg7[%parallel_loop3A_263, %parallel_loop3A_264] {strides = array<i32>} : memref<32x256xf32, #tpu.memory_space<vmem>>, vector<16xf32>,
        %parallel_loop3A_266 = arith.index_cast %parallel_loop3A_251 : i32 to index
        %parallel_loop3A_267 = arith.constant 16 : index
        %parallel_loop3A_268 = tpu.vector_load %arg11[%parallel_loop3A_266, %parallel_loop3A_267] {strides = array<i32>} : memref<32x256xf32, #tpu.memory_space<vmem>>, vector<16xf32>,
        %parallel_loop3A_269 = arith.subf %parallel_loop3A_265, %parallel_loop3A_268 : vector<16xf32>
        %parallel_loop3A_270 = math.absf %parallel_loop3A_269 : vector<16xf32>
        %parallel_loop3A_271 = arith.addf %parallel_loop3A_262, %parallel_loop3A_270 : vector<16xf32>
        %parallel_loop3A_272 = arith.index_cast %parallel_loop3A_251 : i32 to index
        %parallel_loop3A_273 = arith.constant 32 : index
        %parallel_loop3A_274 = tpu.vector_load %arg7[%parallel_loop3A_272, %parallel_loop3A_273] {strides = array<i32>} : memref<32x256xf32, #tpu.memory_space<vmem>>, vector<16xf32>,
        %parallel_loop3A_275 = arith.index_cast %parallel_loop3A_251 : i32 to index
        %parallel_loop3A_276 = arith.constant 32 : index
        %parallel_loop3A_277 = tpu.vector_load %arg11[%parallel_loop3A_275, %parallel_loop3A_276] {strides = array<i32>} : memref<32x256xf32, #tpu.memory_space<vmem>>, vector<16xf32>,
        %parallel_loop3A_278 = arith.subf %parallel_loop3A_274, %parallel_loop3A_277 : vector<16xf32>
        %parallel_loop3A_279 = math.absf %parallel_loop3A_278 : vector<16xf32>
        %parallel_loop3A_280 = arith.addf %parallel_loop3A_271, %parallel_loop3A_279 : vector<16xf32>
        %parallel_loop3A_281 = arith.index_cast %parallel_loop3A_251 : i32 to index
        %parallel_loop3A_282 = arith.constant 48 : index
        %parallel_loop3A_283 = tpu.vector_load %arg7[%parallel_loop3A_281, %parallel_loop3A_282] {strides = array<i32>} : memref<32x256xf32, #tpu.memory_space<vmem>>, vector<16xf32>,
        %parallel_loop3A_284 = arith.index_cast %parallel_loop3A_251 : i32 to index
        %parallel_loop3A_285 = arith.constant 48 : index
        %parallel_loop3A_286 = tpu.vector_load %arg11[%parallel_loop3A_284, %parallel_loop3A_285] {strides = array<i32>} : memref<32x256xf32, #tpu.memory_space<vmem>>, vector<16xf32>,
        %parallel_loop3A_287 = arith.subf %parallel_loop3A_283, %parallel_loop3A_286 : vector<16xf32>
        %parallel_loop3A_288 = math.absf %parallel_loop3A_287 : vector<16xf32>
        %parallel_loop3A_289 = arith.addf %parallel_loop3A_280, %parallel_loop3A_288 : vector<16xf32>
        %parallel_loop3A_290 = arith.index_cast %parallel_loop3A_251 : i32 to index
        %parallel_loop3A_291 = arith.constant 64 : index
        %parallel_loop3A_292 = tpu.vector_load %arg7[%parallel_loop3A_290, %parallel_loop3A_291] {strides = array<i32>} : memref<32x256xf32, #tpu.memory_space<vmem>>, vector<16xf32>,
        %parallel_loop3A_293 = arith.index_cast %parallel_loop3A_251 : i32 to index
        %parallel_loop3A_294 = arith.constant 64 : index
        %parallel_loop3A_295 = tpu.vector_load %arg11[%parallel_loop3A_293, %parallel_loop3A_294] {strides = array<i32>} : memref<32x256xf32, #tpu.memory_space<vmem>>, vector<16xf32>,
        %parallel_loop3A_296 = arith.subf %parallel_loop3A_292, %parallel_loop3A_295 : vector<16xf32>
        %parallel_loop3A_297 = math.absf %parallel_loop3A_296 : vector<16xf32>
        %parallel_loop3A_298 = arith.addf %parallel_loop3A_289, %parallel_loop3A_297 : vector<16xf32>
        %parallel_loop3A_299 = arith.index_cast %parallel_loop3A_251 : i32 to index
        %parallel_loop3A_300 = arith.constant 80 : index
        %parallel_loop3A_301 = tpu.vector_load %arg7[%parallel_loop3A_299, %parallel_loop3A_300] {strides = array<i32>} : memref<32x256xf32, #tpu.memory_space<vmem>>, vector<16xf32>,
        %parallel_loop3A_302 = arith.index_cast %parallel_loop3A_251 : i32 to index
        %parallel_loop3A_303 = arith.constant 80 : index
        %parallel_loop3A_304 = tpu.vector_load %arg11[%parallel_loop3A_302, %parallel_loop3A_303] {strides = array<i32>} : memref<32x256xf32, #tpu.memory_space<vmem>>, vector<16xf32>,
        %parallel_loop3A_305 = arith.subf %parallel_loop3A_301, %parallel_loop3A_304 : vector<16xf32>
        %parallel_loop3A_306 = math.absf %parallel_loop3A_305 : vector<16xf32>
        %parallel_loop3A_307 = arith.addf %parallel_loop3A_298, %parallel_loop3A_306 : vector<16xf32>
        %parallel_loop3A_308 = arith.index_cast %parallel_loop3A_251 : i32 to index
        %parallel_loop3A_309 = arith.constant 96 : index
        %parallel_loop3A_310 = tpu.vector_load %arg7[%parallel_loop3A_308, %parallel_loop3A_309] {strides = array<i32>} : memref<32x256xf32, #tpu.memory_space<vmem>>, vector<16xf32>,
        %parallel_loop3A_311 = arith.index_cast %parallel_loop3A_251 : i32 to index
        %parallel_loop3A_312 = arith.constant 96 : index
        %parallel_loop3A_313 = tpu.vector_load %arg11[%parallel_loop3A_311, %parallel_loop3A_312] {strides = array<i32>} : memref<32x256xf32, #tpu.memory_space<vmem>>, vector<16xf32>,
        %parallel_loop3A_314 = arith.subf %parallel_loop3A_310, %parallel_loop3A_313 : vector<16xf32>
        %parallel_loop3A_315 = math.absf %parallel_loop3A_314 : vector<16xf32>
        %parallel_loop3A_316 = arith.addf %parallel_loop3A_307, %parallel_loop3A_315 : vector<16xf32>
        %parallel_loop3A_317 = arith.index_cast %parallel_loop3A_251 : i32 to index
        %parallel_loop3A_318 = arith.constant 112 : index
        %parallel_loop3A_319 = tpu.vector_load %arg7[%parallel_loop3A_317, %parallel_loop3A_318] {strides = array<i32>} : memref<32x256xf32, #tpu.memory_space<vmem>>, vector<16xf32>,
        %parallel_loop3A_320 = arith.index_cast %parallel_loop3A_251 : i32 to index
        %parallel_loop3A_321 = arith.constant 112 : index
        %parallel_loop3A_322 = tpu.vector_load %arg11[%parallel_loop3A_320, %parallel_loop3A_321] {strides = array<i32>} : memref<32x256xf32, #tpu.memory_space<vmem>>, vector<16xf32>,
        %parallel_loop3A_323 = arith.subf %parallel_loop3A_319, %parallel_loop3A_322 : vector<16xf32>
        %parallel_loop3A_324 = math.absf %parallel_loop3A_323 : vector<16xf32>
        %parallel_loop3A_325 = arith.addf %parallel_loop3A_316, %parallel_loop3A_324 : vector<16xf32>
        %parallel_loop3A_326 = arith.index_cast %parallel_loop3A_251 : i32 to index
        %parallel_loop3A_327 = arith.constant 128 : index
        %parallel_loop3A_328 = tpu.vector_load %arg7[%parallel_loop3A_326, %parallel_loop3A_327] {strides = array<i32>} : memref<32x256xf32, #tpu.memory_space<vmem>>, vector<16xf32>,
        %parallel_loop3A_329 = arith.index_cast %parallel_loop3A_251 : i32 to index
        %parallel_loop3A_330 = arith.constant 128 : index
        %parallel_loop3A_331 = tpu.vector_load %arg11[%parallel_loop3A_329, %parallel_loop3A_330] {strides = array<i32>} : memref<32x256xf32, #tpu.memory_space<vmem>>, vector<16xf32>,
        %parallel_loop3A_332 = arith.subf %parallel_loop3A_328, %parallel_loop3A_331 : vector<16xf32>
        %parallel_loop3A_333 = math.absf %parallel_loop3A_332 : vector<16xf32>
        %parallel_loop3A_334 = arith.addf %parallel_loop3A_325, %parallel_loop3A_333 : vector<16xf32>
        %parallel_loop3A_335 = arith.index_cast %parallel_loop3A_251 : i32 to index
        %parallel_loop3A_336 = arith.constant 144 : index
        %parallel_loop3A_337 = tpu.vector_load %arg7[%parallel_loop3A_335, %parallel_loop3A_336] {strides = array<i32>} : memref<32x256xf32, #tpu.memory_space<vmem>>, vector<16xf32>,
        %parallel_loop3A_338 = arith.index_cast %parallel_loop3A_251 : i32 to index
        %parallel_loop3A_339 = arith.constant 144 : index
        %parallel_loop3A_340 = tpu.vector_load %arg11[%parallel_loop3A_338, %parallel_loop3A_339] {strides = array<i32>} : memref<32x256xf32, #tpu.memory_space<vmem>>, vector<16xf32>,
        %parallel_loop3A_341 = arith.subf %parallel_loop3A_337, %parallel_loop3A_340 : vector<16xf32>
        %parallel_loop3A_342 = math.absf %parallel_loop3A_341 : vector<16xf32>
        %parallel_loop3A_343 = arith.addf %parallel_loop3A_334, %parallel_loop3A_342 : vector<16xf32>
        %parallel_loop3A_344 = arith.index_cast %parallel_loop3A_251 : i32 to index
        %parallel_loop3A_345 = arith.constant 160 : index
        %parallel_loop3A_346 = tpu.vector_load %arg7[%parallel_loop3A_344, %parallel_loop3A_345] {strides = array<i32>} : memref<32x256xf32, #tpu.memory_space<vmem>>, vector<16xf32>,
        %parallel_loop3A_347 = arith.index_cast %parallel_loop3A_251 : i32 to index
        %parallel_loop3A_348 = arith.constant 160 : index
        %parallel_loop3A_349 = tpu.vector_load %arg11[%parallel_loop3A_347, %parallel_loop3A_348] {strides = array<i32>} : memref<32x256xf32, #tpu.memory_space<vmem>>, vector<16xf32>,
        %parallel_loop3A_350 = arith.subf %parallel_loop3A_346, %parallel_loop3A_349 : vector<16xf32>
        %parallel_loop3A_351 = math.absf %parallel_loop3A_350 : vector<16xf32>
        %parallel_loop3A_352 = arith.addf %parallel_loop3A_343, %parallel_loop3A_351 : vector<16xf32>
        %parallel_loop3A_353 = arith.index_cast %parallel_loop3A_251 : i32 to index
        %parallel_loop3A_354 = arith.constant 176 : index
        %parallel_loop3A_355 = tpu.vector_load %arg7[%parallel_loop3A_353, %parallel_loop3A_354] {strides = array<i32>} : memref<32x256xf32, #tpu.memory_space<vmem>>, vector<16xf32>,
        %parallel_loop3A_356 = arith.index_cast %parallel_loop3A_251 : i32 to index
        %parallel_loop3A_357 = arith.constant 176 : index
        %parallel_loop3A_358 = tpu.vector_load %arg11[%parallel_loop3A_356, %parallel_loop3A_357] {strides = array<i32>} : memref<32x256xf32, #tpu.memory_space<vmem>>, vector<16xf32>,
        %parallel_loop3A_359 = arith.subf %parallel_loop3A_355, %parallel_loop3A_358 : vector<16xf32>
        %parallel_loop3A_360 = math.absf %parallel_loop3A_359 : vector<16xf32>
        %parallel_loop3A_361 = arith.addf %parallel_loop3A_352, %parallel_loop3A_360 : vector<16xf32>
        %parallel_loop3A_362 = arith.index_cast %parallel_loop3A_251 : i32 to index
        %parallel_loop3A_363 = arith.constant 192 : index
        %parallel_loop3A_364 = tpu.vector_load %arg7[%parallel_loop3A_362, %parallel_loop3A_363] {strides = array<i32>} : memref<32x256xf32, #tpu.memory_space<vmem>>, vector<16xf32>,
        %parallel_loop3A_365 = arith.index_cast %parallel_loop3A_251 : i32 to index
        %parallel_loop3A_366 = arith.constant 192 : index
        %parallel_loop3A_367 = tpu.vector_load %arg11[%parallel_loop3A_365, %parallel_loop3A_366] {strides = array<i32>} : memref<32x256xf32, #tpu.memory_space<vmem>>, vector<16xf32>,
        %parallel_loop3A_368 = arith.subf %parallel_loop3A_364, %parallel_loop3A_367 : vector<16xf32>
        %parallel_loop3A_369 = math.absf %parallel_loop3A_368 : vector<16xf32>
        %parallel_loop3A_370 = arith.addf %parallel_loop3A_361, %parallel_loop3A_369 : vector<16xf32>
        %parallel_loop3A_371 = arith.index_cast %parallel_loop3A_251 : i32 to index
        %parallel_loop3A_372 = arith.constant 208 : index
        %parallel_loop3A_373 = tpu.vector_load %arg7[%parallel_loop3A_371, %parallel_loop3A_372] {strides = array<i32>} : memref<32x256xf32, #tpu.memory_space<vmem>>, vector<16xf32>,
        %parallel_loop3A_374 = arith.index_cast %parallel_loop3A_251 : i32 to index
        %parallel_loop3A_375 = arith.constant 208 : index
        %parallel_loop3A_376 = tpu.vector_load %arg11[%parallel_loop3A_374, %parallel_loop3A_375] {strides = array<i32>} : memref<32x256xf32, #tpu.memory_space<vmem>>, vector<16xf32>,
        %parallel_loop3A_377 = arith.subf %parallel_loop3A_373, %parallel_loop3A_376 : vector<16xf32>
        %parallel_loop3A_378 = math.absf %parallel_loop3A_377 : vector<16xf32>
        %parallel_loop3A_379 = arith.addf %parallel_loop3A_370, %parallel_loop3A_378 : vector<16xf32>
        %parallel_loop3A_380 = arith.index_cast %parallel_loop3A_251 : i32 to index
        %parallel_loop3A_381 = arith.constant 224 : index
        %parallel_loop3A_382 = tpu.vector_load %arg7[%parallel_loop3A_380, %parallel_loop3A_381] {strides = array<i32>} : memref<32x256xf32, #tpu.memory_space<vmem>>, vector<16xf32>,
        %parallel_loop3A_383 = arith.index_cast %parallel_loop3A_251 : i32 to index
        %parallel_loop3A_384 = arith.constant 224 : index
        %parallel_loop3A_385 = tpu.vector_load %arg11[%parallel_loop3A_383, %parallel_loop3A_384] {strides = array<i32>} : memref<32x256xf32, #tpu.memory_space<vmem>>, vector<16xf32>,
        %parallel_loop3A_386 = arith.subf %parallel_loop3A_382, %parallel_loop3A_385 : vector<16xf32>
        %parallel_loop3A_387 = math.absf %parallel_loop3A_386 : vector<16xf32>
        %parallel_loop3A_388 = arith.addf %parallel_loop3A_379, %parallel_loop3A_387 : vector<16xf32>
        %parallel_loop3A_389 = arith.index_cast %parallel_loop3A_251 : i32 to index
        %parallel_loop3A_390 = arith.constant 240 : index
        %parallel_loop3A_391 = tpu.vector_load %arg7[%parallel_loop3A_389, %parallel_loop3A_390] {strides = array<i32>} : memref<32x256xf32, #tpu.memory_space<vmem>>, vector<16xf32>,
        %parallel_loop3A_392 = arith.index_cast %parallel_loop3A_251 : i32 to index
        %parallel_loop3A_393 = arith.constant 240 : index
        %parallel_loop3A_394 = tpu.vector_load %arg11[%parallel_loop3A_392, %parallel_loop3A_393] {strides = array<i32>} : memref<32x256xf32, #tpu.memory_space<vmem>>, vector<16xf32>,
        %parallel_loop3A_395 = arith.subf %parallel_loop3A_391, %parallel_loop3A_394 : vector<16xf32>
        %parallel_loop3A_396 = math.absf %parallel_loop3A_395 : vector<16xf32>
        %parallel_loop3A_397 = arith.addf %parallel_loop3A_388, %parallel_loop3A_396 : vector<16xf32>
        %parallel_loop3A_398 = arith.constant true
        %parallel_loop3A_399 = vector.broadcast %parallel_loop3A_398 : i1 to vector<16xi1>
        %parallel_loop3A_400 = tpu.scan <sum>, %parallel_loop3A_397 masked %parallel_loop3A_399 : vector<16xf32>, vector<16xi1> -> vector<16xf32>
        %parallel_loop3A_401 = vector.broadcast %parallel_loop3A_251 : i32 to vector<16xi32>
        tpu.vector_store_idx %arg14[%parallel_loop3A_401], %parallel_loop3A_400 masked %eq3A_113 : memref<32xf32, #tpu.memory_space<vmem>>[vector<16xi32>], vector<16xf32>, vector<16xi1>
      } {sc.loop_unroll_factor = 1 : i64, sc.parallel_access}
      %get3A_117 = arith.constant 0 : index
      %get3A_118 = tpu.vector_load %arg14[%get3A_117] {strides = array<i32>} : memref<32xf32, #tpu.memory_space<vmem>>, vector<16xf32>,
      %neg3A_119 = arith.constant 0.000000e+00 : f32
      %neg3A_120 = vector.broadcast %neg3A_119 : f32 to vector<16xf32>
      %neg3A_121 = arith.subf %neg3A_120, %get3A_118 : vector<16xf32>
      %exp3A_122 = math.exp %neg3A_121 : vector<16xf32>
      %mul3A_123 = arith.constant 32 : i32
      %mul3A_124 = arith.muli %add3A_87, %mul3A_123 : i32
      %add3A_125 = arith.constant 0 : i32
      %add3A_126 = arith.addi %mul3A_124, %add3A_125 : i32
      %swap3A_127 = arith.index_cast %add3A_126 : i32 to index
      %swap3A_128 = tpu.vector_load %arg15[%swap3A_127] {strides = array<i32>} : memref<2048xf32, #tpu.memory_space<vmem>>, vector<16xf32>,
      tpu.vector_store %arg15[%swap3A_127], %exp3A_122 {strides = array<i32>} : memref<2048xf32, #tpu.memory_space<vmem>>, vector<16xf32>,
      %get3A_129 = arith.constant 16 : index
      %get3A_130 = tpu.vector_load %arg14[%get3A_129] {strides = array<i32>} : memref<32xf32, #tpu.memory_space<vmem>>, vector<16xf32>,
      %neg3A_131 = arith.constant 0.000000e+00 : f32
      %neg3A_132 = vector.broadcast %neg3A_131 : f32 to vector<16xf32>
      %neg3A_133 = arith.subf %neg3A_132, %get3A_130 : vector<16xf32>
      %exp3A_134 = math.exp %neg3A_133 : vector<16xf32>
      %mul3A_135 = arith.constant 32 : i32
      %mul3A_136 = arith.muli %add3A_87, %mul3A_135 : i32
      %add3A_137 = arith.constant 16 : i32
      %add3A_138 = arith.addi %mul3A_136, %add3A_137 : i32
      %swap3A_139 = arith.index_cast %add3A_138 : i32 to index
      %swap3A_140 = tpu.vector_load %arg15[%swap3A_139] {strides = array<i32>} : memref<2048xf32, #tpu.memory_space<vmem>>, vector<16xf32>,
      tpu.vector_store %arg15[%swap3A_139], %exp3A_134 {strides = array<i32>} : memref<2048xf32, #tpu.memory_space<vmem>>, vector<16xf32>,
      %add3A_141 = arith.constant 2 : i32
      %add3A_142 = arith.addi %mul3A_42, %add3A_141 : i32
      %add3A_143 = arith.constant 4 : i32
      %add3A_144 = arith.addi %add3A_142, %add3A_143 : i32
      %sub3A_145 = arith.constant 1 : i32
      %sub3A_146 = arith.subi %add3A_144, %sub3A_145 : i32
      %lt3A_147 = arith.constant 64 : i32
      %lt3A_148 = arith.cmpi slt, %sub3A_146, %lt3A_147 : i32
      %convert_element_type3A_149 = arith.extui %lt3A_148 : i1 to i32
      %cond3A_150 = arith.constant 0 : i32
      %cond3A_151 = arith.cmpi ne, %convert_element_type3A_149, %cond3A_150 : i32
      scf.if %cond3A_151 {
        %add3A_251 = arith.constant 4 : i32
        %add3A_252 = arith.addi %add3A_142, %add3A_251 : i32
        %sub3A_253 = arith.constant 1 : i32
        %sub3A_254 = arith.subi %add3A_252, %sub3A_253 : i32
        %mul3A_255 = arith.constant 32 : i32
        %mul3A_256 = arith.muli %sub3A_254, %mul3A_255 : i32
        %add3A_257 = arith.addi %mul3A_2, %mul3A_256 : i32
        %mul3A_258 = arith.constant 32 : i32
        %mul3A_259 = arith.muli %sub3A_254, %mul3A_258 : i32
        %dma_start3A_260 = arith.constant 0 : i32
        %dma_start3A_261 = tpu.memref_slice %arg2[%add3A_257, %dma_start3A_260] : memref<65536x256xf32, #tpu.memory_space<hbm>> -> memref<32x256xf32, #tpu.memory_space<hbm>>
        %dma_start3A_262 = arith.constant 0 : i32
        %dma_start3A_263 = tpu.memref_slice %arg2[%add3A_257, %dma_start3A_262] : memref<65536x256xf32, #tpu.memory_space<hbm>> -> memref<32x256xf32, #tpu.memory_space<hbm>>
        tpu.enqueue_dma source(%dma_start3A_263 : memref<32x256xf32, #tpu.memory_space<hbm>>) target(%arg7 : memref<32x256xf32, #tpu.memory_space<vmem>>) target_semaphore(%arg17 : memref<!tpu.dma_semaphore, #tpu.memory_space<semaphore_mem>>)
        %dma_start3A_264 = tpu.memref_slice %arg5[%mul3A_259] : memref<2048xi32, #tpu.memory_space<vmem>> -> memref<32xi32, #tpu.memory_space<vmem>>
        %dma_start3A_265 = arith.constant 0 : i32
        %dma_start3A_266 = arith.constant 0 : i32
        %dma_start3A_267 = tpu.memref_slice %arg2[%dma_start3A_265, %dma_start3A_266] : memref<65536x256xf32, #tpu.memory_space<hbm>> -> memref<65536x256xf32, #tpu.memory_space<hbm>>
        tpu.enqueue_indirect_dma source(%dma_start3A_267 : memref<65536x256xf32, #tpu.memory_space<hbm>>) target(%arg11 : memref<32x256xf32, #tpu.memory_space<vmem>>) offsets(%dma_start3A_264 : memref<32xi32, #tpu.memory_space<vmem>>) semaphore(%arg21 : memref<!tpu.dma_semaphore, #tpu.memory_space<semaphore_mem>>)
      } else {
      }
      %mul3A_152 = arith.constant 32 : i32
      %mul3A_153 = arith.muli %add3A_142, %mul3A_152 : i32
      %add3A_154 = arith.addi %mul3A_2, %mul3A_153 : i32
      %mul3A_155 = arith.constant 32 : i32
      %mul3A_156 = arith.muli %add3A_142, %mul3A_155 : i32
      %dma_wait3A_157 = arith.constant 0 : i32
      %dma_wait3A_158 = tpu.memref_slice %arg2[%add3A_154, %dma_wait3A_157] : memref<65536x256xf32, #tpu.memory_space<hbm>> -> memref<32x256xf32, #tpu.memory_space<hbm>>
      %dma_wait3A_159 = arith.constant 0 : i32
      %dma_wait3A_160 = tpu.memref_slice %arg2[%add3A_154, %dma_wait3A_159] : memref<65536x256xf32, #tpu.memory_space<hbm>> -> memref<32x256xf32, #tpu.memory_space<hbm>>
      tpu.wait_dma2 semaphore(%arg18 : memref<!tpu.dma_semaphore, #tpu.memory_space<semaphore_mem>>) src(%dma_wait3A_160 : memref<32x256xf32, #tpu.memory_space<hbm>>) dst(%arg8 : memref<32x256xf32, #tpu.memory_space<vmem>>)
      %dma_wait3A_161 = tpu.memref_slice %arg5[%mul3A_156] : memref<2048xi32, #tpu.memory_space<vmem>> -> memref<32xi32, #tpu.memory_space<vmem>>
      %dma_wait3A_162 = arith.constant 0 : i32
      %dma_wait3A_163 = arith.constant 0 : i32
      %dma_wait3A_164 = tpu.memref_slice %arg2[%dma_wait3A_162, %dma_wait3A_163] : memref<65536x256xf32, #tpu.memory_space<hbm>> -> memref<65536x256xf32, #tpu.memory_space<hbm>>
      tpu.wait_indirect_dma semaphore(%arg22 : memref<!tpu.dma_semaphore, #tpu.memory_space<semaphore_mem>>) src(%dma_wait3A_164 : memref<65536x256xf32, #tpu.memory_space<hbm>>) dst(%arg12 : memref<32x256xf32, #tpu.memory_space<vmem>>)
      %iota3A_165 = tpu.iota {dimensions = array<i32: 0>} : vector<16xi32>
      %eq3A_166 = arith.constant 15 : i32
      %eq3A_167 = vector.broadcast %eq3A_166 : i32 to vector<16xi32>
      %eq3A_168 = arith.cmpi eq, %iota3A_165, %eq3A_167 : vector<16xi32>
      %parallel_loop3A_169 = arith.constant 0 : i32
      %parallel_loop3A_170 = arith.constant 32 : i32
      %parallel_loop3A_171 = arith.constant 1 : i32
      scf.for %parallel_loop3A_251 = %parallel_loop3A_169 to %parallel_loop3A_170 step %parallel_loop3A_171  : i32 {
        %parallel_loop3A_252 = arith.constant 0.000000e+00 : f32
        %parallel_loop3A_253 = vector.broadcast %parallel_loop3A_252 : f32 to vector<16xf32>
        %parallel_loop3A_254 = arith.index_cast %parallel_loop3A_251 : i32 to index
        %parallel_loop3A_255 = arith.constant 0 : index
        %parallel_loop3A_256 = tpu.vector_load %arg8[%parallel_loop3A_254, %parallel_loop3A_255] {strides = array<i32>} : memref<32x256xf32, #tpu.memory_space<vmem>>, vector<16xf32>,
        %parallel_loop3A_257 = arith.index_cast %parallel_loop3A_251 : i32 to index
        %parallel_loop3A_258 = arith.constant 0 : index
        %parallel_loop3A_259 = tpu.vector_load %arg12[%parallel_loop3A_257, %parallel_loop3A_258] {strides = array<i32>} : memref<32x256xf32, #tpu.memory_space<vmem>>, vector<16xf32>,
        %parallel_loop3A_260 = arith.subf %parallel_loop3A_256, %parallel_loop3A_259 : vector<16xf32>
        %parallel_loop3A_261 = math.absf %parallel_loop3A_260 : vector<16xf32>
        %parallel_loop3A_262 = arith.addf %parallel_loop3A_253, %parallel_loop3A_261 : vector<16xf32>
        %parallel_loop3A_263 = arith.index_cast %parallel_loop3A_251 : i32 to index
        %parallel_loop3A_264 = arith.constant 16 : index
        %parallel_loop3A_265 = tpu.vector_load %arg8[%parallel_loop3A_263, %parallel_loop3A_264] {strides = array<i32>} : memref<32x256xf32, #tpu.memory_space<vmem>>, vector<16xf32>,
        %parallel_loop3A_266 = arith.index_cast %parallel_loop3A_251 : i32 to index
        %parallel_loop3A_267 = arith.constant 16 : index
        %parallel_loop3A_268 = tpu.vector_load %arg12[%parallel_loop3A_266, %parallel_loop3A_267] {strides = array<i32>} : memref<32x256xf32, #tpu.memory_space<vmem>>, vector<16xf32>,
        %parallel_loop3A_269 = arith.subf %parallel_loop3A_265, %parallel_loop3A_268 : vector<16xf32>
        %parallel_loop3A_270 = math.absf %parallel_loop3A_269 : vector<16xf32>
        %parallel_loop3A_271 = arith.addf %parallel_loop3A_262, %parallel_loop3A_270 : vector<16xf32>
        %parallel_loop3A_272 = arith.index_cast %parallel_loop3A_251 : i32 to index
        %parallel_loop3A_273 = arith.constant 32 : index
        %parallel_loop3A_274 = tpu.vector_load %arg8[%parallel_loop3A_272, %parallel_loop3A_273] {strides = array<i32>} : memref<32x256xf32, #tpu.memory_space<vmem>>, vector<16xf32>,
        %parallel_loop3A_275 = arith.index_cast %parallel_loop3A_251 : i32 to index
        %parallel_loop3A_276 = arith.constant 32 : index
        %parallel_loop3A_277 = tpu.vector_load %arg12[%parallel_loop3A_275, %parallel_loop3A_276] {strides = array<i32>} : memref<32x256xf32, #tpu.memory_space<vmem>>, vector<16xf32>,
        %parallel_loop3A_278 = arith.subf %parallel_loop3A_274, %parallel_loop3A_277 : vector<16xf32>
        %parallel_loop3A_279 = math.absf %parallel_loop3A_278 : vector<16xf32>
        %parallel_loop3A_280 = arith.addf %parallel_loop3A_271, %parallel_loop3A_279 : vector<16xf32>
        %parallel_loop3A_281 = arith.index_cast %parallel_loop3A_251 : i32 to index
        %parallel_loop3A_282 = arith.constant 48 : index
        %parallel_loop3A_283 = tpu.vector_load %arg8[%parallel_loop3A_281, %parallel_loop3A_282] {strides = array<i32>} : memref<32x256xf32, #tpu.memory_space<vmem>>, vector<16xf32>,
        %parallel_loop3A_284 = arith.index_cast %parallel_loop3A_251 : i32 to index
        %parallel_loop3A_285 = arith.constant 48 : index
        %parallel_loop3A_286 = tpu.vector_load %arg12[%parallel_loop3A_284, %parallel_loop3A_285] {strides = array<i32>} : memref<32x256xf32, #tpu.memory_space<vmem>>, vector<16xf32>,
        %parallel_loop3A_287 = arith.subf %parallel_loop3A_283, %parallel_loop3A_286 : vector<16xf32>
        %parallel_loop3A_288 = math.absf %parallel_loop3A_287 : vector<16xf32>
        %parallel_loop3A_289 = arith.addf %parallel_loop3A_280, %parallel_loop3A_288 : vector<16xf32>
        %parallel_loop3A_290 = arith.index_cast %parallel_loop3A_251 : i32 to index
        %parallel_loop3A_291 = arith.constant 64 : index
        %parallel_loop3A_292 = tpu.vector_load %arg8[%parallel_loop3A_290, %parallel_loop3A_291] {strides = array<i32>} : memref<32x256xf32, #tpu.memory_space<vmem>>, vector<16xf32>,
        %parallel_loop3A_293 = arith.index_cast %parallel_loop3A_251 : i32 to index
        %parallel_loop3A_294 = arith.constant 64 : index
        %parallel_loop3A_295 = tpu.vector_load %arg12[%parallel_loop3A_293, %parallel_loop3A_294] {strides = array<i32>} : memref<32x256xf32, #tpu.memory_space<vmem>>, vector<16xf32>,
        %parallel_loop3A_296 = arith.subf %parallel_loop3A_292, %parallel_loop3A_295 : vector<16xf32>
        %parallel_loop3A_297 = math.absf %parallel_loop3A_296 : vector<16xf32>
        %parallel_loop3A_298 = arith.addf %parallel_loop3A_289, %parallel_loop3A_297 : vector<16xf32>
        %parallel_loop3A_299 = arith.index_cast %parallel_loop3A_251 : i32 to index
        %parallel_loop3A_300 = arith.constant 80 : index
        %parallel_loop3A_301 = tpu.vector_load %arg8[%parallel_loop3A_299, %parallel_loop3A_300] {strides = array<i32>} : memref<32x256xf32, #tpu.memory_space<vmem>>, vector<16xf32>,
        %parallel_loop3A_302 = arith.index_cast %parallel_loop3A_251 : i32 to index
        %parallel_loop3A_303 = arith.constant 80 : index
        %parallel_loop3A_304 = tpu.vector_load %arg12[%parallel_loop3A_302, %parallel_loop3A_303] {strides = array<i32>} : memref<32x256xf32, #tpu.memory_space<vmem>>, vector<16xf32>,
        %parallel_loop3A_305 = arith.subf %parallel_loop3A_301, %parallel_loop3A_304 : vector<16xf32>
        %parallel_loop3A_306 = math.absf %parallel_loop3A_305 : vector<16xf32>
        %parallel_loop3A_307 = arith.addf %parallel_loop3A_298, %parallel_loop3A_306 : vector<16xf32>
        %parallel_loop3A_308 = arith.index_cast %parallel_loop3A_251 : i32 to index
        %parallel_loop3A_309 = arith.constant 96 : index
        %parallel_loop3A_310 = tpu.vector_load %arg8[%parallel_loop3A_308, %parallel_loop3A_309] {strides = array<i32>} : memref<32x256xf32, #tpu.memory_space<vmem>>, vector<16xf32>,
        %parallel_loop3A_311 = arith.index_cast %parallel_loop3A_251 : i32 to index
        %parallel_loop3A_312 = arith.constant 96 : index
        %parallel_loop3A_313 = tpu.vector_load %arg12[%parallel_loop3A_311, %parallel_loop3A_312] {strides = array<i32>} : memref<32x256xf32, #tpu.memory_space<vmem>>, vector<16xf32>,
        %parallel_loop3A_314 = arith.subf %parallel_loop3A_310, %parallel_loop3A_313 : vector<16xf32>
        %parallel_loop3A_315 = math.absf %parallel_loop3A_314 : vector<16xf32>
        %parallel_loop3A_316 = arith.addf %parallel_loop3A_307, %parallel_loop3A_315 : vector<16xf32>
        %parallel_loop3A_317 = arith.index_cast %parallel_loop3A_251 : i32 to index
        %parallel_loop3A_318 = arith.constant 112 : index
        %parallel_loop3A_319 = tpu.vector_load %arg8[%parallel_loop3A_317, %parallel_loop3A_318] {strides = array<i32>} : memref<32x256xf32, #tpu.memory_space<vmem>>, vector<16xf32>,
        %parallel_loop3A_320 = arith.index_cast %parallel_loop3A_251 : i32 to index
        %parallel_loop3A_321 = arith.constant 112 : index
        %parallel_loop3A_322 = tpu.vector_load %arg12[%parallel_loop3A_320, %parallel_loop3A_321] {strides = array<i32>} : memref<32x256xf32, #tpu.memory_space<vmem>>, vector<16xf32>,
        %parallel_loop3A_323 = arith.subf %parallel_loop3A_319, %parallel_loop3A_322 : vector<16xf32>
        %parallel_loop3A_324 = math.absf %parallel_loop3A_323 : vector<16xf32>
        %parallel_loop3A_325 = arith.addf %parallel_loop3A_316, %parallel_loop3A_324 : vector<16xf32>
        %parallel_loop3A_326 = arith.index_cast %parallel_loop3A_251 : i32 to index
        %parallel_loop3A_327 = arith.constant 128 : index
        %parallel_loop3A_328 = tpu.vector_load %arg8[%parallel_loop3A_326, %parallel_loop3A_327] {strides = array<i32>} : memref<32x256xf32, #tpu.memory_space<vmem>>, vector<16xf32>,
        %parallel_loop3A_329 = arith.index_cast %parallel_loop3A_251 : i32 to index
        %parallel_loop3A_330 = arith.constant 128 : index
        %parallel_loop3A_331 = tpu.vector_load %arg12[%parallel_loop3A_329, %parallel_loop3A_330] {strides = array<i32>} : memref<32x256xf32, #tpu.memory_space<vmem>>, vector<16xf32>,
        %parallel_loop3A_332 = arith.subf %parallel_loop3A_328, %parallel_loop3A_331 : vector<16xf32>
        %parallel_loop3A_333 = math.absf %parallel_loop3A_332 : vector<16xf32>
        %parallel_loop3A_334 = arith.addf %parallel_loop3A_325, %parallel_loop3A_333 : vector<16xf32>
        %parallel_loop3A_335 = arith.index_cast %parallel_loop3A_251 : i32 to index
        %parallel_loop3A_336 = arith.constant 144 : index
        %parallel_loop3A_337 = tpu.vector_load %arg8[%parallel_loop3A_335, %parallel_loop3A_336] {strides = array<i32>} : memref<32x256xf32, #tpu.memory_space<vmem>>, vector<16xf32>,
        %parallel_loop3A_338 = arith.index_cast %parallel_loop3A_251 : i32 to index
        %parallel_loop3A_339 = arith.constant 144 : index
        %parallel_loop3A_340 = tpu.vector_load %arg12[%parallel_loop3A_338, %parallel_loop3A_339] {strides = array<i32>} : memref<32x256xf32, #tpu.memory_space<vmem>>, vector<16xf32>,
        %parallel_loop3A_341 = arith.subf %parallel_loop3A_337, %parallel_loop3A_340 : vector<16xf32>
        %parallel_loop3A_342 = math.absf %parallel_loop3A_341 : vector<16xf32>
        %parallel_loop3A_343 = arith.addf %parallel_loop3A_334, %parallel_loop3A_342 : vector<16xf32>
        %parallel_loop3A_344 = arith.index_cast %parallel_loop3A_251 : i32 to index
        %parallel_loop3A_345 = arith.constant 160 : index
        %parallel_loop3A_346 = tpu.vector_load %arg8[%parallel_loop3A_344, %parallel_loop3A_345] {strides = array<i32>} : memref<32x256xf32, #tpu.memory_space<vmem>>, vector<16xf32>,
        %parallel_loop3A_347 = arith.index_cast %parallel_loop3A_251 : i32 to index
        %parallel_loop3A_348 = arith.constant 160 : index
        %parallel_loop3A_349 = tpu.vector_load %arg12[%parallel_loop3A_347, %parallel_loop3A_348] {strides = array<i32>} : memref<32x256xf32, #tpu.memory_space<vmem>>, vector<16xf32>,
        %parallel_loop3A_350 = arith.subf %parallel_loop3A_346, %parallel_loop3A_349 : vector<16xf32>
        %parallel_loop3A_351 = math.absf %parallel_loop3A_350 : vector<16xf32>
        %parallel_loop3A_352 = arith.addf %parallel_loop3A_343, %parallel_loop3A_351 : vector<16xf32>
        %parallel_loop3A_353 = arith.index_cast %parallel_loop3A_251 : i32 to index
        %parallel_loop3A_354 = arith.constant 176 : index
        %parallel_loop3A_355 = tpu.vector_load %arg8[%parallel_loop3A_353, %parallel_loop3A_354] {strides = array<i32>} : memref<32x256xf32, #tpu.memory_space<vmem>>, vector<16xf32>,
        %parallel_loop3A_356 = arith.index_cast %parallel_loop3A_251 : i32 to index
        %parallel_loop3A_357 = arith.constant 176 : index
        %parallel_loop3A_358 = tpu.vector_load %arg12[%parallel_loop3A_356, %parallel_loop3A_357] {strides = array<i32>} : memref<32x256xf32, #tpu.memory_space<vmem>>, vector<16xf32>,
        %parallel_loop3A_359 = arith.subf %parallel_loop3A_355, %parallel_loop3A_358 : vector<16xf32>
        %parallel_loop3A_360 = math.absf %parallel_loop3A_359 : vector<16xf32>
        %parallel_loop3A_361 = arith.addf %parallel_loop3A_352, %parallel_loop3A_360 : vector<16xf32>
        %parallel_loop3A_362 = arith.index_cast %parallel_loop3A_251 : i32 to index
        %parallel_loop3A_363 = arith.constant 192 : index
        %parallel_loop3A_364 = tpu.vector_load %arg8[%parallel_loop3A_362, %parallel_loop3A_363] {strides = array<i32>} : memref<32x256xf32, #tpu.memory_space<vmem>>, vector<16xf32>,
        %parallel_loop3A_365 = arith.index_cast %parallel_loop3A_251 : i32 to index
        %parallel_loop3A_366 = arith.constant 192 : index
        %parallel_loop3A_367 = tpu.vector_load %arg12[%parallel_loop3A_365, %parallel_loop3A_366] {strides = array<i32>} : memref<32x256xf32, #tpu.memory_space<vmem>>, vector<16xf32>,
        %parallel_loop3A_368 = arith.subf %parallel_loop3A_364, %parallel_loop3A_367 : vector<16xf32>
        %parallel_loop3A_369 = math.absf %parallel_loop3A_368 : vector<16xf32>
        %parallel_loop3A_370 = arith.addf %parallel_loop3A_361, %parallel_loop3A_369 : vector<16xf32>
        %parallel_loop3A_371 = arith.index_cast %parallel_loop3A_251 : i32 to index
        %parallel_loop3A_372 = arith.constant 208 : index
        %parallel_loop3A_373 = tpu.vector_load %arg8[%parallel_loop3A_371, %parallel_loop3A_372] {strides = array<i32>} : memref<32x256xf32, #tpu.memory_space<vmem>>, vector<16xf32>,
        %parallel_loop3A_374 = arith.index_cast %parallel_loop3A_251 : i32 to index
        %parallel_loop3A_375 = arith.constant 208 : index
        %parallel_loop3A_376 = tpu.vector_load %arg12[%parallel_loop3A_374, %parallel_loop3A_375] {strides = array<i32>} : memref<32x256xf32, #tpu.memory_space<vmem>>, vector<16xf32>,
        %parallel_loop3A_377 = arith.subf %parallel_loop3A_373, %parallel_loop3A_376 : vector<16xf32>
        %parallel_loop3A_378 = math.absf %parallel_loop3A_377 : vector<16xf32>
        %parallel_loop3A_379 = arith.addf %parallel_loop3A_370, %parallel_loop3A_378 : vector<16xf32>
        %parallel_loop3A_380 = arith.index_cast %parallel_loop3A_251 : i32 to index
        %parallel_loop3A_381 = arith.constant 224 : index
        %parallel_loop3A_382 = tpu.vector_load %arg8[%parallel_loop3A_380, %parallel_loop3A_381] {strides = array<i32>} : memref<32x256xf32, #tpu.memory_space<vmem>>, vector<16xf32>,
        %parallel_loop3A_383 = arith.index_cast %parallel_loop3A_251 : i32 to index
        %parallel_loop3A_384 = arith.constant 224 : index
        %parallel_loop3A_385 = tpu.vector_load %arg12[%parallel_loop3A_383, %parallel_loop3A_384] {strides = array<i32>} : memref<32x256xf32, #tpu.memory_space<vmem>>, vector<16xf32>,
        %parallel_loop3A_386 = arith.subf %parallel_loop3A_382, %parallel_loop3A_385 : vector<16xf32>
        %parallel_loop3A_387 = math.absf %parallel_loop3A_386 : vector<16xf32>
        %parallel_loop3A_388 = arith.addf %parallel_loop3A_379, %parallel_loop3A_387 : vector<16xf32>
        %parallel_loop3A_389 = arith.index_cast %parallel_loop3A_251 : i32 to index
        %parallel_loop3A_390 = arith.constant 240 : index
        %parallel_loop3A_391 = tpu.vector_load %arg8[%parallel_loop3A_389, %parallel_loop3A_390] {strides = array<i32>} : memref<32x256xf32, #tpu.memory_space<vmem>>, vector<16xf32>,
        %parallel_loop3A_392 = arith.index_cast %parallel_loop3A_251 : i32 to index
        %parallel_loop3A_393 = arith.constant 240 : index
        %parallel_loop3A_394 = tpu.vector_load %arg12[%parallel_loop3A_392, %parallel_loop3A_393] {strides = array<i32>} : memref<32x256xf32, #tpu.memory_space<vmem>>, vector<16xf32>,
        %parallel_loop3A_395 = arith.subf %parallel_loop3A_391, %parallel_loop3A_394 : vector<16xf32>
        %parallel_loop3A_396 = math.absf %parallel_loop3A_395 : vector<16xf32>
        %parallel_loop3A_397 = arith.addf %parallel_loop3A_388, %parallel_loop3A_396 : vector<16xf32>
        %parallel_loop3A_398 = arith.constant true
        %parallel_loop3A_399 = vector.broadcast %parallel_loop3A_398 : i1 to vector<16xi1>
        %parallel_loop3A_400 = tpu.scan <sum>, %parallel_loop3A_397 masked %parallel_loop3A_399 : vector<16xf32>, vector<16xi1> -> vector<16xf32>
        %parallel_loop3A_401 = vector.broadcast %parallel_loop3A_251 : i32 to vector<16xi32>
        tpu.vector_store_idx %arg14[%parallel_loop3A_401], %parallel_loop3A_400 masked %eq3A_168 : memref<32xf32, #tpu.memory_space<vmem>>[vector<16xi32>], vector<16xf32>, vector<16xi1>
      } {sc.loop_unroll_factor = 1 : i64, sc.parallel_access}
      %get3A_172 = arith.constant 0 : index
      %get3A_173 = tpu.vector_load %arg14[%get3A_172] {strides = array<i32>} : memref<32xf32, #tpu.memory_space<vmem>>, vector<16xf32>,
      %neg3A_174 = arith.constant 0.000000e+00 : f32
      %neg3A_175 = vector.broadcast %neg3A_174 : f32 to vector<16xf32>
      %neg3A_176 = arith.subf %neg3A_175, %get3A_173 : vector<16xf32>
      %exp3A_177 = math.exp %neg3A_176 : vector<16xf32>
      %mul3A_178 = arith.constant 32 : i32
      %mul3A_179 = arith.muli %add3A_142, %mul3A_178 : i32
      %add3A_180 = arith.constant 0 : i32
      %add3A_181 = arith.addi %mul3A_179, %add3A_180 : i32
      %swap3A_182 = arith.index_cast %add3A_181 : i32 to index
      %swap3A_183 = tpu.vector_load %arg15[%swap3A_182] {strides = array<i32>} : memref<2048xf32, #tpu.memory_space<vmem>>, vector<16xf32>,
      tpu.vector_store %arg15[%swap3A_182], %exp3A_177 {strides = array<i32>} : memref<2048xf32, #tpu.memory_space<vmem>>, vector<16xf32>,
      %get3A_184 = arith.constant 16 : index
      %get3A_185 = tpu.vector_load %arg14[%get3A_184] {strides = array<i32>} : memref<32xf32, #tpu.memory_space<vmem>>, vector<16xf32>,
      %neg3A_186 = arith.constant 0.000000e+00 : f32
      %neg3A_187 = vector.broadcast %neg3A_186 : f32 to vector<16xf32>
      %neg3A_188 = arith.subf %neg3A_187, %get3A_185 : vector<16xf32>
      %exp3A_189 = math.exp %neg3A_188 : vector<16xf32>
      %mul3A_190 = arith.constant 32 : i32
      %mul3A_191 = arith.muli %add3A_142, %mul3A_190 : i32
      %add3A_192 = arith.constant 16 : i32
      %add3A_193 = arith.addi %mul3A_191, %add3A_192 : i32
      %swap3A_194 = arith.index_cast %add3A_193 : i32 to index
      %swap3A_195 = tpu.vector_load %arg15[%swap3A_194] {strides = array<i32>} : memref<2048xf32, #tpu.memory_space<vmem>>, vector<16xf32>,
      tpu.vector_store %arg15[%swap3A_194], %exp3A_189 {strides = array<i32>} : memref<2048xf32, #tpu.memory_space<vmem>>, vector<16xf32>,
      %add3A_196 = arith.constant 3 : i32
      %add3A_197 = arith.addi %mul3A_42, %add3A_196 : i32
      %add3A_198 = arith.constant 4 : i32
      %add3A_199 = arith.addi %add3A_197, %add3A_198 : i32
      %sub3A_200 = arith.constant 1 : i32
      %sub3A_201 = arith.subi %add3A_199, %sub3A_200 : i32
      %lt3A_202 = arith.constant 64 : i32
      %lt3A_203 = arith.cmpi slt, %sub3A_201, %lt3A_202 : i32
      %convert_element_type3A_204 = arith.extui %lt3A_203 : i1 to i32
      %cond3A_205 = arith.constant 0 : i32
      %cond3A_206 = arith.cmpi ne, %convert_element_type3A_204, %cond3A_205 : i32
      scf.if %cond3A_206 {
        %add3A_251 = arith.constant 4 : i32
        %add3A_252 = arith.addi %add3A_197, %add3A_251 : i32
        %sub3A_253 = arith.constant 1 : i32
        %sub3A_254 = arith.subi %add3A_252, %sub3A_253 : i32
        %mul3A_255 = arith.constant 32 : i32
        %mul3A_256 = arith.muli %sub3A_254, %mul3A_255 : i32
        %add3A_257 = arith.addi %mul3A_2, %mul3A_256 : i32
        %mul3A_258 = arith.constant 32 : i32
        %mul3A_259 = arith.muli %sub3A_254, %mul3A_258 : i32
        %dma_start3A_260 = arith.constant 0 : i32
        %dma_start3A_261 = tpu.memref_slice %arg2[%add3A_257, %dma_start3A_260] : memref<65536x256xf32, #tpu.memory_space<hbm>> -> memref<32x256xf32, #tpu.memory_space<hbm>>
        %dma_start3A_262 = arith.constant 0 : i32
        %dma_start3A_263 = tpu.memref_slice %arg2[%add3A_257, %dma_start3A_262] : memref<65536x256xf32, #tpu.memory_space<hbm>> -> memref<32x256xf32, #tpu.memory_space<hbm>>
        tpu.enqueue_dma source(%dma_start3A_263 : memref<32x256xf32, #tpu.memory_space<hbm>>) target(%arg8 : memref<32x256xf32, #tpu.memory_space<vmem>>) target_semaphore(%arg18 : memref<!tpu.dma_semaphore, #tpu.memory_space<semaphore_mem>>)
        %dma_start3A_264 = tpu.memref_slice %arg5[%mul3A_259] : memref<2048xi32, #tpu.memory_space<vmem>> -> memref<32xi32, #tpu.memory_space<vmem>>
        %dma_start3A_265 = arith.constant 0 : i32
        %dma_start3A_266 = arith.constant 0 : i32
        %dma_start3A_267 = tpu.memref_slice %arg2[%dma_start3A_265, %dma_start3A_266] : memref<65536x256xf32, #tpu.memory_space<hbm>> -> memref<65536x256xf32, #tpu.memory_space<hbm>>
        tpu.enqueue_indirect_dma source(%dma_start3A_267 : memref<65536x256xf32, #tpu.memory_space<hbm>>) target(%arg12 : memref<32x256xf32, #tpu.memory_space<vmem>>) offsets(%dma_start3A_264 : memref<32xi32, #tpu.memory_space<vmem>>) semaphore(%arg22 : memref<!tpu.dma_semaphore, #tpu.memory_space<semaphore_mem>>)
      } else {
      }
      %mul3A_207 = arith.constant 32 : i32
      %mul3A_208 = arith.muli %add3A_197, %mul3A_207 : i32
      %add3A_209 = arith.addi %mul3A_2, %mul3A_208 : i32
      %mul3A_210 = arith.constant 32 : i32
      %mul3A_211 = arith.muli %add3A_197, %mul3A_210 : i32
      %dma_wait3A_212 = arith.constant 0 : i32
      %dma_wait3A_213 = tpu.memref_slice %arg2[%add3A_209, %dma_wait3A_212] : memref<65536x256xf32, #tpu.memory_space<hbm>> -> memref<32x256xf32, #tpu.memory_space<hbm>>
      %dma_wait3A_214 = arith.constant 0 : i32
      %dma_wait3A_215 = tpu.memref_slice %arg2[%add3A_209, %dma_wait3A_214] : memref<65536x256xf32, #tpu.memory_space<hbm>> -> memref<32x256xf32, #tpu.memory_space<hbm>>
      tpu.wait_dma2 semaphore(%arg19 : memref<!tpu.dma_semaphore, #tpu.memory_space<semaphore_mem>>) src(%dma_wait3A_215 : memref<32x256xf32, #tpu.memory_space<hbm>>) dst(%arg9 : memref<32x256xf32, #tpu.memory_space<vmem>>)
      %dma_wait3A_216 = tpu.memref_slice %arg5[%mul3A_211] : memref<2048xi32, #tpu.memory_space<vmem>> -> memref<32xi32, #tpu.memory_space<vmem>>
      %dma_wait3A_217 = arith.constant 0 : i32
      %dma_wait3A_218 = arith.constant 0 : i32
      %dma_wait3A_219 = tpu.memref_slice %arg2[%dma_wait3A_217, %dma_wait3A_218] : memref<65536x256xf32, #tpu.memory_space<hbm>> -> memref<65536x256xf32, #tpu.memory_space<hbm>>
      tpu.wait_indirect_dma semaphore(%arg23 : memref<!tpu.dma_semaphore, #tpu.memory_space<semaphore_mem>>) src(%dma_wait3A_219 : memref<65536x256xf32, #tpu.memory_space<hbm>>) dst(%arg13 : memref<32x256xf32, #tpu.memory_space<vmem>>)
      %iota3A_220 = tpu.iota {dimensions = array<i32: 0>} : vector<16xi32>
      %eq3A_221 = arith.constant 15 : i32
      %eq3A_222 = vector.broadcast %eq3A_221 : i32 to vector<16xi32>
      %eq3A_223 = arith.cmpi eq, %iota3A_220, %eq3A_222 : vector<16xi32>
      %parallel_loop3A_224 = arith.constant 0 : i32
      %parallel_loop3A_225 = arith.constant 32 : i32
      %parallel_loop3A_226 = arith.constant 1 : i32
      scf.for %parallel_loop3A_251 = %parallel_loop3A_224 to %parallel_loop3A_225 step %parallel_loop3A_226  : i32 {
        %parallel_loop3A_252 = arith.constant 0.000000e+00 : f32
        %parallel_loop3A_253 = vector.broadcast %parallel_loop3A_252 : f32 to vector<16xf32>
        %parallel_loop3A_254 = arith.index_cast %parallel_loop3A_251 : i32 to index
        %parallel_loop3A_255 = arith.constant 0 : index
        %parallel_loop3A_256 = tpu.vector_load %arg9[%parallel_loop3A_254, %parallel_loop3A_255] {strides = array<i32>} : memref<32x256xf32, #tpu.memory_space<vmem>>, vector<16xf32>,
        %parallel_loop3A_257 = arith.index_cast %parallel_loop3A_251 : i32 to index
        %parallel_loop3A_258 = arith.constant 0 : index
        %parallel_loop3A_259 = tpu.vector_load %arg13[%parallel_loop3A_257, %parallel_loop3A_258] {strides = array<i32>} : memref<32x256xf32, #tpu.memory_space<vmem>>, vector<16xf32>,
        %parallel_loop3A_260 = arith.subf %parallel_loop3A_256, %parallel_loop3A_259 : vector<16xf32>
        %parallel_loop3A_261 = math.absf %parallel_loop3A_260 : vector<16xf32>
        %parallel_loop3A_262 = arith.addf %parallel_loop3A_253, %parallel_loop3A_261 : vector<16xf32>
        %parallel_loop3A_263 = arith.index_cast %parallel_loop3A_251 : i32 to index
        %parallel_loop3A_264 = arith.constant 16 : index
        %parallel_loop3A_265 = tpu.vector_load %arg9[%parallel_loop3A_263, %parallel_loop3A_264] {strides = array<i32>} : memref<32x256xf32, #tpu.memory_space<vmem>>, vector<16xf32>,
        %parallel_loop3A_266 = arith.index_cast %parallel_loop3A_251 : i32 to index
        %parallel_loop3A_267 = arith.constant 16 : index
        %parallel_loop3A_268 = tpu.vector_load %arg13[%parallel_loop3A_266, %parallel_loop3A_267] {strides = array<i32>} : memref<32x256xf32, #tpu.memory_space<vmem>>, vector<16xf32>,
        %parallel_loop3A_269 = arith.subf %parallel_loop3A_265, %parallel_loop3A_268 : vector<16xf32>
        %parallel_loop3A_270 = math.absf %parallel_loop3A_269 : vector<16xf32>
        %parallel_loop3A_271 = arith.addf %parallel_loop3A_262, %parallel_loop3A_270 : vector<16xf32>
        %parallel_loop3A_272 = arith.index_cast %parallel_loop3A_251 : i32 to index
        %parallel_loop3A_273 = arith.constant 32 : index
        %parallel_loop3A_274 = tpu.vector_load %arg9[%parallel_loop3A_272, %parallel_loop3A_273] {strides = array<i32>} : memref<32x256xf32, #tpu.memory_space<vmem>>, vector<16xf32>,
        %parallel_loop3A_275 = arith.index_cast %parallel_loop3A_251 : i32 to index
        %parallel_loop3A_276 = arith.constant 32 : index
        %parallel_loop3A_277 = tpu.vector_load %arg13[%parallel_loop3A_275, %parallel_loop3A_276] {strides = array<i32>} : memref<32x256xf32, #tpu.memory_space<vmem>>, vector<16xf32>,
        %parallel_loop3A_278 = arith.subf %parallel_loop3A_274, %parallel_loop3A_277 : vector<16xf32>
        %parallel_loop3A_279 = math.absf %parallel_loop3A_278 : vector<16xf32>
        %parallel_loop3A_280 = arith.addf %parallel_loop3A_271, %parallel_loop3A_279 : vector<16xf32>
        %parallel_loop3A_281 = arith.index_cast %parallel_loop3A_251 : i32 to index
        %parallel_loop3A_282 = arith.constant 48 : index
        %parallel_loop3A_283 = tpu.vector_load %arg9[%parallel_loop3A_281, %parallel_loop3A_282] {strides = array<i32>} : memref<32x256xf32, #tpu.memory_space<vmem>>, vector<16xf32>,
        %parallel_loop3A_284 = arith.index_cast %parallel_loop3A_251 : i32 to index
        %parallel_loop3A_285 = arith.constant 48 : index
        %parallel_loop3A_286 = tpu.vector_load %arg13[%parallel_loop3A_284, %parallel_loop3A_285] {strides = array<i32>} : memref<32x256xf32, #tpu.memory_space<vmem>>, vector<16xf32>,
        %parallel_loop3A_287 = arith.subf %parallel_loop3A_283, %parallel_loop3A_286 : vector<16xf32>
        %parallel_loop3A_288 = math.absf %parallel_loop3A_287 : vector<16xf32>
        %parallel_loop3A_289 = arith.addf %parallel_loop3A_280, %parallel_loop3A_288 : vector<16xf32>
        %parallel_loop3A_290 = arith.index_cast %parallel_loop3A_251 : i32 to index
        %parallel_loop3A_291 = arith.constant 64 : index
        %parallel_loop3A_292 = tpu.vector_load %arg9[%parallel_loop3A_290, %parallel_loop3A_291] {strides = array<i32>} : memref<32x256xf32, #tpu.memory_space<vmem>>, vector<16xf32>,
        %parallel_loop3A_293 = arith.index_cast %parallel_loop3A_251 : i32 to index
        %parallel_loop3A_294 = arith.constant 64 : index
        %parallel_loop3A_295 = tpu.vector_load %arg13[%parallel_loop3A_293, %parallel_loop3A_294] {strides = array<i32>} : memref<32x256xf32, #tpu.memory_space<vmem>>, vector<16xf32>,
        %parallel_loop3A_296 = arith.subf %parallel_loop3A_292, %parallel_loop3A_295 : vector<16xf32>
        %parallel_loop3A_297 = math.absf %parallel_loop3A_296 : vector<16xf32>
        %parallel_loop3A_298 = arith.addf %parallel_loop3A_289, %parallel_loop3A_297 : vector<16xf32>
        %parallel_loop3A_299 = arith.index_cast %parallel_loop3A_251 : i32 to index
        %parallel_loop3A_300 = arith.constant 80 : index
        %parallel_loop3A_301 = tpu.vector_load %arg9[%parallel_loop3A_299, %parallel_loop3A_300] {strides = array<i32>} : memref<32x256xf32, #tpu.memory_space<vmem>>, vector<16xf32>,
        %parallel_loop3A_302 = arith.index_cast %parallel_loop3A_251 : i32 to index
        %parallel_loop3A_303 = arith.constant 80 : index
        %parallel_loop3A_304 = tpu.vector_load %arg13[%parallel_loop3A_302, %parallel_loop3A_303] {strides = array<i32>} : memref<32x256xf32, #tpu.memory_space<vmem>>, vector<16xf32>,
        %parallel_loop3A_305 = arith.subf %parallel_loop3A_301, %parallel_loop3A_304 : vector<16xf32>
        %parallel_loop3A_306 = math.absf %parallel_loop3A_305 : vector<16xf32>
        %parallel_loop3A_307 = arith.addf %parallel_loop3A_298, %parallel_loop3A_306 : vector<16xf32>
        %parallel_loop3A_308 = arith.index_cast %parallel_loop3A_251 : i32 to index
        %parallel_loop3A_309 = arith.constant 96 : index
        %parallel_loop3A_310 = tpu.vector_load %arg9[%parallel_loop3A_308, %parallel_loop3A_309] {strides = array<i32>} : memref<32x256xf32, #tpu.memory_space<vmem>>, vector<16xf32>,
        %parallel_loop3A_311 = arith.index_cast %parallel_loop3A_251 : i32 to index
        %parallel_loop3A_312 = arith.constant 96 : index
        %parallel_loop3A_313 = tpu.vector_load %arg13[%parallel_loop3A_311, %parallel_loop3A_312] {strides = array<i32>} : memref<32x256xf32, #tpu.memory_space<vmem>>, vector<16xf32>,
        %parallel_loop3A_314 = arith.subf %parallel_loop3A_310, %parallel_loop3A_313 : vector<16xf32>
        %parallel_loop3A_315 = math.absf %parallel_loop3A_314 : vector<16xf32>
        %parallel_loop3A_316 = arith.addf %parallel_loop3A_307, %parallel_loop3A_315 : vector<16xf32>
        %parallel_loop3A_317 = arith.index_cast %parallel_loop3A_251 : i32 to index
        %parallel_loop3A_318 = arith.constant 112 : index
        %parallel_loop3A_319 = tpu.vector_load %arg9[%parallel_loop3A_317, %parallel_loop3A_318] {strides = array<i32>} : memref<32x256xf32, #tpu.memory_space<vmem>>, vector<16xf32>,
        %parallel_loop3A_320 = arith.index_cast %parallel_loop3A_251 : i32 to index
        %parallel_loop3A_321 = arith.constant 112 : index
        %parallel_loop3A_322 = tpu.vector_load %arg13[%parallel_loop3A_320, %parallel_loop3A_321] {strides = array<i32>} : memref<32x256xf32, #tpu.memory_space<vmem>>, vector<16xf32>,
        %parallel_loop3A_323 = arith.subf %parallel_loop3A_319, %parallel_loop3A_322 : vector<16xf32>
        %parallel_loop3A_324 = math.absf %parallel_loop3A_323 : vector<16xf32>
        %parallel_loop3A_325 = arith.addf %parallel_loop3A_316, %parallel_loop3A_324 : vector<16xf32>
        %parallel_loop3A_326 = arith.index_cast %parallel_loop3A_251 : i32 to index
        %parallel_loop3A_327 = arith.constant 128 : index
        %parallel_loop3A_328 = tpu.vector_load %arg9[%parallel_loop3A_326, %parallel_loop3A_327] {strides = array<i32>} : memref<32x256xf32, #tpu.memory_space<vmem>>, vector<16xf32>,
        %parallel_loop3A_329 = arith.index_cast %parallel_loop3A_251 : i32 to index
        %parallel_loop3A_330 = arith.constant 128 : index
        %parallel_loop3A_331 = tpu.vector_load %arg13[%parallel_loop3A_329, %parallel_loop3A_330] {strides = array<i32>} : memref<32x256xf32, #tpu.memory_space<vmem>>, vector<16xf32>,
        %parallel_loop3A_332 = arith.subf %parallel_loop3A_328, %parallel_loop3A_331 : vector<16xf32>
        %parallel_loop3A_333 = math.absf %parallel_loop3A_332 : vector<16xf32>
        %parallel_loop3A_334 = arith.addf %parallel_loop3A_325, %parallel_loop3A_333 : vector<16xf32>
        %parallel_loop3A_335 = arith.index_cast %parallel_loop3A_251 : i32 to index
        %parallel_loop3A_336 = arith.constant 144 : index
        %parallel_loop3A_337 = tpu.vector_load %arg9[%parallel_loop3A_335, %parallel_loop3A_336] {strides = array<i32>} : memref<32x256xf32, #tpu.memory_space<vmem>>, vector<16xf32>,
        %parallel_loop3A_338 = arith.index_cast %parallel_loop3A_251 : i32 to index
        %parallel_loop3A_339 = arith.constant 144 : index
        %parallel_loop3A_340 = tpu.vector_load %arg13[%parallel_loop3A_338, %parallel_loop3A_339] {strides = array<i32>} : memref<32x256xf32, #tpu.memory_space<vmem>>, vector<16xf32>,
        %parallel_loop3A_341 = arith.subf %parallel_loop3A_337, %parallel_loop3A_340 : vector<16xf32>
        %parallel_loop3A_342 = math.absf %parallel_loop3A_341 : vector<16xf32>
        %parallel_loop3A_343 = arith.addf %parallel_loop3A_334, %parallel_loop3A_342 : vector<16xf32>
        %parallel_loop3A_344 = arith.index_cast %parallel_loop3A_251 : i32 to index
        %parallel_loop3A_345 = arith.constant 160 : index
        %parallel_loop3A_346 = tpu.vector_load %arg9[%parallel_loop3A_344, %parallel_loop3A_345] {strides = array<i32>} : memref<32x256xf32, #tpu.memory_space<vmem>>, vector<16xf32>,
        %parallel_loop3A_347 = arith.index_cast %parallel_loop3A_251 : i32 to index
        %parallel_loop3A_348 = arith.constant 160 : index
        %parallel_loop3A_349 = tpu.vector_load %arg13[%parallel_loop3A_347, %parallel_loop3A_348] {strides = array<i32>} : memref<32x256xf32, #tpu.memory_space<vmem>>, vector<16xf32>,
        %parallel_loop3A_350 = arith.subf %parallel_loop3A_346, %parallel_loop3A_349 : vector<16xf32>
        %parallel_loop3A_351 = math.absf %parallel_loop3A_350 : vector<16xf32>
        %parallel_loop3A_352 = arith.addf %parallel_loop3A_343, %parallel_loop3A_351 : vector<16xf32>
        %parallel_loop3A_353 = arith.index_cast %parallel_loop3A_251 : i32 to index
        %parallel_loop3A_354 = arith.constant 176 : index
        %parallel_loop3A_355 = tpu.vector_load %arg9[%parallel_loop3A_353, %parallel_loop3A_354] {strides = array<i32>} : memref<32x256xf32, #tpu.memory_space<vmem>>, vector<16xf32>,
        %parallel_loop3A_356 = arith.index_cast %parallel_loop3A_251 : i32 to index
        %parallel_loop3A_357 = arith.constant 176 : index
        %parallel_loop3A_358 = tpu.vector_load %arg13[%parallel_loop3A_356, %parallel_loop3A_357] {strides = array<i32>} : memref<32x256xf32, #tpu.memory_space<vmem>>, vector<16xf32>,
        %parallel_loop3A_359 = arith.subf %parallel_loop3A_355, %parallel_loop3A_358 : vector<16xf32>
        %parallel_loop3A_360 = math.absf %parallel_loop3A_359 : vector<16xf32>
        %parallel_loop3A_361 = arith.addf %parallel_loop3A_352, %parallel_loop3A_360 : vector<16xf32>
        %parallel_loop3A_362 = arith.index_cast %parallel_loop3A_251 : i32 to index
        %parallel_loop3A_363 = arith.constant 192 : index
        %parallel_loop3A_364 = tpu.vector_load %arg9[%parallel_loop3A_362, %parallel_loop3A_363] {strides = array<i32>} : memref<32x256xf32, #tpu.memory_space<vmem>>, vector<16xf32>,
        %parallel_loop3A_365 = arith.index_cast %parallel_loop3A_251 : i32 to index
        %parallel_loop3A_366 = arith.constant 192 : index
        %parallel_loop3A_367 = tpu.vector_load %arg13[%parallel_loop3A_365, %parallel_loop3A_366] {strides = array<i32>} : memref<32x256xf32, #tpu.memory_space<vmem>>, vector<16xf32>,
        %parallel_loop3A_368 = arith.subf %parallel_loop3A_364, %parallel_loop3A_367 : vector<16xf32>
        %parallel_loop3A_369 = math.absf %parallel_loop3A_368 : vector<16xf32>
        %parallel_loop3A_370 = arith.addf %parallel_loop3A_361, %parallel_loop3A_369 : vector<16xf32>
        %parallel_loop3A_371 = arith.index_cast %parallel_loop3A_251 : i32 to index
        %parallel_loop3A_372 = arith.constant 208 : index
        %parallel_loop3A_373 = tpu.vector_load %arg9[%parallel_loop3A_371, %parallel_loop3A_372] {strides = array<i32>} : memref<32x256xf32, #tpu.memory_space<vmem>>, vector<16xf32>,
        %parallel_loop3A_374 = arith.index_cast %parallel_loop3A_251 : i32 to index
        %parallel_loop3A_375 = arith.constant 208 : index
        %parallel_loop3A_376 = tpu.vector_load %arg13[%parallel_loop3A_374, %parallel_loop3A_375] {strides = array<i32>} : memref<32x256xf32, #tpu.memory_space<vmem>>, vector<16xf32>,
        %parallel_loop3A_377 = arith.subf %parallel_loop3A_373, %parallel_loop3A_376 : vector<16xf32>
        %parallel_loop3A_378 = math.absf %parallel_loop3A_377 : vector<16xf32>
        %parallel_loop3A_379 = arith.addf %parallel_loop3A_370, %parallel_loop3A_378 : vector<16xf32>
        %parallel_loop3A_380 = arith.index_cast %parallel_loop3A_251 : i32 to index
        %parallel_loop3A_381 = arith.constant 224 : index
        %parallel_loop3A_382 = tpu.vector_load %arg9[%parallel_loop3A_380, %parallel_loop3A_381] {strides = array<i32>} : memref<32x256xf32, #tpu.memory_space<vmem>>, vector<16xf32>,
        %parallel_loop3A_383 = arith.index_cast %parallel_loop3A_251 : i32 to index
        %parallel_loop3A_384 = arith.constant 224 : index
        %parallel_loop3A_385 = tpu.vector_load %arg13[%parallel_loop3A_383, %parallel_loop3A_384] {strides = array<i32>} : memref<32x256xf32, #tpu.memory_space<vmem>>, vector<16xf32>,
        %parallel_loop3A_386 = arith.subf %parallel_loop3A_382, %parallel_loop3A_385 : vector<16xf32>
        %parallel_loop3A_387 = math.absf %parallel_loop3A_386 : vector<16xf32>
        %parallel_loop3A_388 = arith.addf %parallel_loop3A_379, %parallel_loop3A_387 : vector<16xf32>
        %parallel_loop3A_389 = arith.index_cast %parallel_loop3A_251 : i32 to index
        %parallel_loop3A_390 = arith.constant 240 : index
        %parallel_loop3A_391 = tpu.vector_load %arg9[%parallel_loop3A_389, %parallel_loop3A_390] {strides = array<i32>} : memref<32x256xf32, #tpu.memory_space<vmem>>, vector<16xf32>,
        %parallel_loop3A_392 = arith.index_cast %parallel_loop3A_251 : i32 to index
        %parallel_loop3A_393 = arith.constant 240 : index
        %parallel_loop3A_394 = tpu.vector_load %arg13[%parallel_loop3A_392, %parallel_loop3A_393] {strides = array<i32>} : memref<32x256xf32, #tpu.memory_space<vmem>>, vector<16xf32>,
        %parallel_loop3A_395 = arith.subf %parallel_loop3A_391, %parallel_loop3A_394 : vector<16xf32>
        %parallel_loop3A_396 = math.absf %parallel_loop3A_395 : vector<16xf32>
        %parallel_loop3A_397 = arith.addf %parallel_loop3A_388, %parallel_loop3A_396 : vector<16xf32>
        %parallel_loop3A_398 = arith.constant true
        %parallel_loop3A_399 = vector.broadcast %parallel_loop3A_398 : i1 to vector<16xi1>
        %parallel_loop3A_400 = tpu.scan <sum>, %parallel_loop3A_397 masked %parallel_loop3A_399 : vector<16xf32>, vector<16xi1> -> vector<16xf32>
        %parallel_loop3A_401 = vector.broadcast %parallel_loop3A_251 : i32 to vector<16xi32>
        tpu.vector_store_idx %arg14[%parallel_loop3A_401], %parallel_loop3A_400 masked %eq3A_223 : memref<32xf32, #tpu.memory_space<vmem>>[vector<16xi32>], vector<16xf32>, vector<16xi1>
      } {sc.loop_unroll_factor = 1 : i64, sc.parallel_access}
      %get3A_227 = arith.constant 0 : index
      %get3A_228 = tpu.vector_load %arg14[%get3A_227] {strides = array<i32>} : memref<32xf32, #tpu.memory_space<vmem>>, vector<16xf32>,
      %neg3A_229 = arith.constant 0.000000e+00 : f32
      %neg3A_230 = vector.broadcast %neg3A_229 : f32 to vector<16xf32>
      %neg3A_231 = arith.subf %neg3A_230, %get3A_228 : vector<16xf32>
      %exp3A_232 = math.exp %neg3A_231 : vector<16xf32>
      %mul3A_233 = arith.constant 32 : i32
      %mul3A_234 = arith.muli %add3A_197, %mul3A_233 : i32
      %add3A_235 = arith.constant 0 : i32
      %add3A_236 = arith.addi %mul3A_234, %add3A_235 : i32
      %swap3A_237 = arith.index_cast %add3A_236 : i32 to index
      %swap3A_238 = tpu.vector_load %arg15[%swap3A_237] {strides = array<i32>} : memref<2048xf32, #tpu.memory_space<vmem>>, vector<16xf32>,
      tpu.vector_store %arg15[%swap3A_237], %exp3A_232 {strides = array<i32>} : memref<2048xf32, #tpu.memory_space<vmem>>, vector<16xf32>,
      %get3A_239 = arith.constant 16 : index
      %get3A_240 = tpu.vector_load %arg14[%get3A_239] {strides = array<i32>} : memref<32xf32, #tpu.memory_space<vmem>>, vector<16xf32>,
      %neg3A_241 = arith.constant 0.000000e+00 : f32
      %neg3A_242 = vector.broadcast %neg3A_241 : f32 to vector<16xf32>
      %neg3A_243 = arith.subf %neg3A_242, %get3A_240 : vector<16xf32>
      %exp3A_244 = math.exp %neg3A_243 : vector<16xf32>
      %mul3A_245 = arith.constant 32 : i32
      %mul3A_246 = arith.muli %add3A_197, %mul3A_245 : i32
      %add3A_247 = arith.constant 16 : i32
      %add3A_248 = arith.addi %mul3A_246, %add3A_247 : i32
      %swap3A_249 = arith.index_cast %add3A_248 : i32 to index
      %swap3A_250 = tpu.vector_load %arg15[%swap3A_249] {strides = array<i32>} : memref<2048xf32, #tpu.memory_space<vmem>>, vector<16xf32>,
      tpu.vector_store %arg15[%swap3A_249], %exp3A_244 {strides = array<i32>} : memref<2048xf32, #tpu.memory_space<vmem>>, vector<16xf32>,
    }
    %scan3A_39 = arith.constant 16 : i32
    "tpu.region"() ({
      %run_scoped3A = tpu.sem_alloc : memref<!tpu.dma_semaphore, #tpu.memory_space<semaphore_mem>>
      %dma_start3A_40 = tpu.memref_slice %arg4[%mul3A_2] : memref<65536xf32, #tpu.memory_space<hbm>> -> memref<2048xf32, #tpu.memory_space<hbm>>
      %dma_start3A_41 = tpu.memref_slice %arg4[%mul3A_2] : memref<65536xf32, #tpu.memory_space<hbm>> -> memref<2048xf32, #tpu.memory_space<hbm>>
      tpu.enqueue_dma source(%arg15 : memref<2048xf32, #tpu.memory_space<vmem>>) target(%dma_start3A_41 : memref<2048xf32, #tpu.memory_space<hbm>>) target_semaphore(%run_scoped3A : memref<!tpu.dma_semaphore, #tpu.memory_space<semaphore_mem>>)
      %dma_wait3A = tpu.memref_slice %arg4[%mul3A_2] : memref<65536xf32, #tpu.memory_space<hbm>> -> memref<2048xf32, #tpu.memory_space<hbm>>
      %dma_wait3A_42 = tpu.memref_slice %arg4[%mul3A_2] : memref<65536xf32, #tpu.memory_space<hbm>> -> memref<2048xf32, #tpu.memory_space<hbm>>
      tpu.wait_dma2 semaphore(%run_scoped3A : memref<!tpu.dma_semaphore, #tpu.memory_space<semaphore_mem>>) src(%arg15 : memref<2048xf32, #tpu.memory_space<vmem>>) dst(%dma_wait3A_42 : memref<2048xf32, #tpu.memory_space<hbm>>)
      tpu.yield
    }) : () -> ()
    return
  }
}

</mosaic_0001>

<sc_bundles>
// kernel: kernel.3.cloned.1.call-start
scs
__scs_entry_jumppad:
0x0: {  	(pc) =	sbr.rel $0x88, $3  }
0x1: {  	(tag) =	ssettag $0x0;
	lr =	simm.s32 $0x1  }
0x2: {  	[smem:$0x3F9F] =	sst lr;
	_ =	strace $0xD0000000  }
0x3: {  	_ = 	snop  }
0x4: {  	_ = 	snop  }
0x5: {  	_ = 	snop  }
0x6: {  	_ = 	snop  }
0x7: {  	_ = 	snop  }
__scs_overlays_trampoline_lowered:
0x8: {  	[smem:$0x3FAE] =	sst s0  }
0x9: {  	[smem:$0x3FAF] =	sst s1  }
0xa: {  	[smem:$0x3FB0] =	sst s2  }
0xb: {  	[smem:$0x3FB1] =	sst s3  }
0xc: {  	[smem:$0x3FB2] =	sst s4  }
0xd: {  	[smem:$0x3FB3] =	sst s5  }
0xe: {  	[smem:$0x3FB4] =	sst s6  }
0xf: {  	[smem:$0x3FB5] =	sst s7  }
0x10: {  	[smem:$0x3FB6] =	sst s8  }
0x11: {  	[smem:$0x3FB7] =	sst s9;
	s0 =	simm.s32 @!p0 $0x0  }
0x12: {  	s1 =	sld [smem:$0x3F9D];
	s0 =	simm.s32 @p0 $0x1  }
0x13: {  	[smem:$0x3FB8] =	sst s0;
	s0 =	simm.s32 @!p1 $0x0  }
0x14: {  	s2 =	sld [smem:$0x3F9C];
	s0 =	simm.s32 @p1 $0x1  }
0x15: {  	[smem:$0x3FB9] =	sst s0;
	s0 =	simm.s32 @!p2 $0x0  }
0x16: {  	s3 =	sld [smem:$0x3FDB];
	s0 =	simm.s32 @p2 $0x1  }
0x17: {  	s4 =	simm.s32 $0x1BF5;
	[smem:$0x3FBB] =	sst s0  }
0x18: {  	s0 =	sld [smem:$0x3F9E];
	_ =	swait.ge [sflag:s4], $0x0  }
0x19: {  	s7 =	sld [smem:$0x3F9F]  }
0x1a: {  	s8 =	sadd.s32 $0xFFFFE003, lr  }
0x1b: {  	s9 =	sadd.s32 $0xFFFFFEF7, lr;
	s5 =	simm.s32 $0xFFFFFFFF;
	p2 =	slt.u32 s8, $0xFFFFF086  }
0x1c: {  	p1 =	slt.u32 s9, $0xF7A;
	s5 =	simm.s32 @!p2 $0x0  }
0x1d: {  	s5 =	simm.s32 @p1 $0x1;
	p0 =	seq.s32 s7, s2  }
0x1e: {  	s7 =	smul.u32 @!p0 $0xF7A, s2;
	p2 =	seq.s32 @!p0 s5, $0x0  }
0x1f: {  	s9 =	smul.u32 $0xF7A, s1;
	s8 =	simm.s32 @!p0 $0x1BF5;
	p2 =	por !p2, p0  }
0x20: {  	[sflag:s8] =	ssyncset.s32 @!p0 $0xFFFFF086;
	s6 =	sadd.s32 @!p0 s3, s7;
	s7 =	simm.s32 @!p0 $0x108  }
0x21: {  	s3 =	sadd.s32 s3, s9;
	s6 =	sadd.s32 @!p0 $0x88, s6;
	s7 =	simm.s32 @p2 $0x1082  }
0x22: {  	[simem:s7], [sflag:s8] =	dma.local @!p0 [hbm:s6], $0xF7A  }
0x23: {  	s9 =	sor.u32 $0xD0000000, s2;
	s6 =	simm.s32 $0x108;
	_ =	swait.ge @!p0 [sflag:s8], $0x0  }
0x24: {  	s3 =	sadd.s32 $0x88, s3;
	s6 =	simm.s32 @!p1 $0x1082;
	[sflag:s4] =	ssyncset.s32 $0xFFFFF086  }
0x25: {  	[simem:s6], [sflag:s4] =	dma.local [hbm:s3], $0xF7A  }
0x26: {  	[smem:$0x3F9F] =	sst s1;
	(tag) =	ssettag s2;
	_ =	strace s9  }
0x27: {  	s1 =	sld [smem:$0x3FAF]  }
0x28: {  	s2 =	sld [smem:$0x3FB0]  }
0x29: {  	s4 =	sld [smem:$0x3FB2]  }
0x2a: {  	p0 =	seq.s32 s5, $0x0;
	s5 =	sld [smem:$0x3FB3]  }
0x2b: {  	s6 =	sld [smem:$0x3FB4]  }
0x2c: {  	s7 =	sld [smem:$0x3FB5]  }
0x2d: {  	s3 =	simm.s32 $0x108;
	s8 =	sld [smem:$0x3FB6]  }
0x2e: {  	s3 =	simm.s32 @!p0 $0x1082;
	s9 =	sld [smem:$0x3FB7]  }
0x2f: {  	lr =	sadd.s32 s0, s3;
	s0 =	sld [smem:$0x3FAE]  }
0x30: {  	s3 =	sld [smem:$0x3FB1]  }
0x31: {  	[smem:$0x3FBA] =	sst s10  }
0x32: {  	s10 =	sld [smem:$0x3FB8];
	_ =	sdelay $0x3  }
0x33: {  	p0 =	seq.s32 s10, $0x1;
	s10 =	sld [smem:$0x3FBA];
	_ =	sdelay $0x3  }
0x34: {  	[smem:$0x3FBA] =	sst s10  }
0x35: {  	s10 =	sld [smem:$0x3FB9];
	_ =	sdelay $0x3  }
0x36: {  	p1 =	seq.s32 s10, $0x1;
	s10 =	sld [smem:$0x3FBA];
	_ =	sdelay $0x3  }
0x37: {  	[smem:$0x3FBA] =	sst s10  }
0x38: {  	s10 =	sld [smem:$0x3FBB]  }
0x39: {  	_ = 	snop;
	(pc) =	sbr.ind lr, $3  }
0x3a: {  	_ = 	snop  }
0x3b: {  	_ = 	snop  }
0x3c: {  	p2 =	seq.s32 s10, $0x1;
	s10 =	sld [smem:$0x3FBA]  }
0x3d: {  	_ =	shalt  }
0x3e: {  	_ =	shalt  }
0x3f: {  	_ =	shalt  }
0x40: {  	_ =	shalt  }
0x41: {  	_ =	shalt  }
0x42: {  	_ =	shalt  }
0x43: {  	_ =	shalt  }
0x44: {  	_ =	shalt  }
0x45: {  	_ =	shalt  }
0x46: {  	_ =	shalt  }
0x47: {  	_ =	shalt  }
0x48: {  	_ =	shalt  }
0x49: {  	_ =	shalt  }
0x4a: {  	_ =	shalt  }
0x4b: {  	_ =	shalt  }
0x4c: {  	_ =	shalt  }
0x4d: {  	_ =	shalt  }
0x4e: {  	_ =	shalt  }
0x4f: {  	_ =	shalt  }
0x50: {  	_ =	shalt  }
0x51: {  	_ =	shalt  }
0x52: {  	_ =	shalt  }
0x53: {  	_ =	shalt  }
0x54: {  	_ =	shalt  }
0x55: {  	_ =	shalt  }
0x56: {  	_ =	shalt  }
0x57: {  	_ =	shalt  }
0x58: {  	_ =	shalt  }
0x59: {  	_ =	shalt  }
0x5a: {  	_ =	shalt  }
0x5b: {  	_ =	shalt  }
0x5c: {  	_ =	shalt  }
0x5d: {  	_ =	shalt  }
0x5e: {  	_ =	shalt  }
0x5f: {  	_ =	shalt  }
0x60: {  	_ =	shalt  }
0x61: {  	_ =	shalt  }
0x62: {  	_ =	shalt  }
0x63: {  	_ =	shalt  }
0x64: {  	_ =	shalt  }
0x65: {  	_ =	shalt  }
0x66: {  	_ =	shalt  }
0x67: {  	_ =	shalt  }
0x68: {  	_ =	shalt  }
0x69: {  	_ =	shalt  }
0x6a: {  	_ =	shalt  }
0x6b: {  	_ =	shalt  }
0x6c: {  	_ =	shalt  }
0x6d: {  	_ =	shalt  }
0x6e: {  	_ =	shalt  }
0x6f: {  	_ =	shalt  }
0x70: {  	_ =	shalt  }
0x71: {  	_ =	shalt  }
0x72: {  	_ =	shalt  }
0x73: {  	_ =	shalt  }
0x74: {  	_ =	shalt  }
0x75: {  	_ =	shalt  }
0x76: {  	_ =	shalt  }
0x77: {  	_ =	shalt  }
0x78: {  	_ =	shalt  }
0x79: {  	_ =	shalt  }
0x7a: {  	_ =	shalt  }
0x7b: {  	_ =	shalt  }
0x7c: {  	_ =	shalt  }
0x7d: {  	_ =	shalt  }
0x7e: {  	_ =	shalt  }
0x7f: {  	_ =	shalt  }
0x80: {  	_ =	shalt  }
0x81: {  	_ =	shalt  }
0x82: {  	_ =	shalt  }
0x83: {  	_ =	shalt  }
0x84: {  	_ =	shalt  }
0x85: {  	_ =	shalt  }
0x86: {  	_ =	shalt  }
0x87: {  	_ =	shalt  }
.Lfunc_end0:
.L_simem_size_0:
called_computation_lowered:
.L_overlay_start_0:
0x88: {  	s2 =	sld [smem:$0x3FD9]  }
0x89: {  	s3 =	sld [smem:$0x3FFE];
	_ =	sdelay $0x1  }
0x8a: {  	s1 =	srdreg.scid  }
0x8b: {  	s0 =	sand.u32 $0x1, s1  }
0x8c: {  	s18 =	sshll.u32 s0, $0xA;
	s2 =	sadd.s32 s3, s2  }
0x8d: {  	s2 =	sadd.s32 s2, s18  }
0x8e: {  	[smem:$0x3FC6] =	sst s2  }
0x8f: {  	_ = 	snop  }
0x90: {  	s2 =	sld [smem:$0x3FC9]  }
0x91: {  	s19 =	sld [smem:$0x3FC8]  }
0x92: {  	s4 =	sld [smem:$0x3FD0];
	(tm) =	ssettm $0x1  }
0x93: {  	s5 =	sld [smem:$0x3FFB];
	_ =	sdelay $0x3  }
0x94: {  	_ =	strace s5  }
0x95: {  	s5 =	sld [smem:$0x3FFC];
	_ =	sdelay $0x3  }
0x96: {  	_ =	strace s5  }
0x97: {  	s5 =	sld [smem:$0x3FFD];
	_ =	sdelay $0x3  }
0x98: {  	_ =	strace s5  }
0x99: {  	_ =	strace $0x8FFFFFFF  }
0x9a: {  	s20 =	sld [smem:$0x3FDB];
	_ =	sdelay $0x1  }
0x9b: {  	s6 =	simm.s32 $_scs_section_size  }
0x9c: {  	s7 =	simm.s32 $_size__tile_overlayer_lowered;
	s8 =	simm.s32 $_tile_overlayer_lowered  }
0x9d: {  	s23 =	simm.s32 $0x1BFF;
	s22 =	sshll.u32 s8, $0x1;
	s5 =	sadd.s32 s6, s20  }
0x9e: {  	s9 =	simm.s32 $0x0;
	s21 =	sshll.u32 s7, $0x1;
	s7 =	sadd.s32 s22, s5  }
0x9f: {  	[timem:s9], [sflag:s23] =	dma.local [hbm:s7], s21  }
0xa0: {  	_ =	swait.ge [sflag:s23], s21  }
0xa1: {  	s6 =	ssub.s32 $0x0, s21;
	[sflag:s23] =	ssyncset.done $0x0  }
0xa2: {  	[sflag:s23] =	ssyncadd.s32 s6;
	_ =	sdelay $0x1  }
0xa3: {  	s24 =	simm.s32 $0x1B8B  }
0xa4: {  	_ =	swait.ge [sflag:s24], $0x1  }
0xa5: {  	[sflag:s24] =	ssyncset.done $0x0  }
0xa6: {  	s25 =	simm.s32 $0x1B8E;
	[sflag:s24] =	ssyncadd.s32 $0xFFFFFFFF  }
0xa7: {  	s26 =	simm.s32 $execute0_lowered;
	[smem:$0x3FD2] =	sst s25  }
0xa8: {  	s6 =	sshll.u32 s26, $0x1;
	_ =	strace $0x80000046;
	[dreg:$0x1] =	wrdreg $0xFFFFFFFF  }
0xa9: {  	s28 =	simm.s32 $_size_execute0_lowered;
	s5 =	sadd.s32 s5, s6;
	[dreg:$0x0] =	wrdreg $0x0  }
0xaa: {  	s6 =	sshll.u32 s28, $0x1;
	[dreg:$0x2] =	wrdreg s5  }
0xab: {  	[dreg:$0x3] =	wrdreg s6  }
0xac: {  	[dreg:$0x4] =	wrdreg $0xC0  }
0xad: {  	_ =	task [dreg:s9], $0x5FFFF  }
0xae: {  	[dreg:$0x1] =	wrdreg $0xFFFFFFFF  }
0xaf: {  	[dreg:$0x0] =	wrdreg $0x60  }
0xb0: {  	[dreg:$0x2] =	wrdreg s2  }
0xb1: {  	[dreg:$0x3] =	wrdreg s19  }
0xb2: {  	[dreg:$0x4] =	wrdreg s4  }
0xb3: {  	[dreg:$0x5] =	wrdreg $0x9  }
0xb4: {  	_ =	task.clear_ibuf [dreg:s9], $0x6FFFF;
	_ =	strace $0x90000046  }
0xb5: {  	s29 =	simm.s32 $0x9;
	_ =	strace $0x80000048  }
0xb6: {  	_ =	swait.ge [sflag:s29], $0x1  }
0xb7: {  	[sflag:s29] =	ssyncadd.s32 $0xFFFFFFFF  }
0xb8: {  	_ =	strace $0x90000048  }
0xb9: {  	_ =	sfence  }
0xba: {  	s30 =	sld [smem:$0x0];
	_ =	sdelay $0x2  }
0xbb: {  	s31 =	sshll.u32 s1, $0xD;
	s1 =	sshrl.u32 s1, $0x2  }
0xbc: {  	s3 =	sand.u32 $0x4000, s31;
	s1 =	sadd.s32 s1, s30  }
0xbd: {  	s0 =	sor.u32 s3, s0;
	s1 =	sshll.u32 s1, $0x11  }
0xbe: {  	s0 =	sor.u32 s1, s0  }
0xbf: {  	s0 =	sadd.s32 $0x8F2B, s0  }
0xc0: {  	[sflag:s0] =	ssyncadd.remote.s32 $0x1  }
0xc1: {  	_ =	sfence.sel $0xFFFF  }
0xc2: {  	[dreg:$0x0] =	wrdreg $0xFFFFFFFF;
	(pc) =	sbr.abs _section_cstart, $3  }
0xc3: {  	[dreg:$0x1] =	wrdreg $0xFFFFFFFF  }
0xc4: {  	_ =	task.clear_ibuf [dreg:s9], $0x2FFFF;
	_ =	strace $0x9FFFFFFF  }
0xc5: {  	(tm) =	ssettm $0x7FFFFFFF  }
tec
execute0_lowered:
.L_overlay_start_1:
0x0: {  	(tag) =	ssettag $0x1  }
0x1: {  	s1 =	rddreg [dreg:$0x0]  }
0x2: {  	s0 =	rddreg [dreg:$0x1]  }
0x3: {  	s2 =	rddreg [dreg:$0x2]  }
0x4: {  	s4 =	srdreg.scid;
	s3 =	simm.s32 $0x0;
	s5 =	stileid.u32  }
0x5: {  	s11 =	simm.s32 $0x9;
	s28 =	simm.s32 $0x6800;
	s29 =	simm.s32 $0xE800  }
0x6: {  	s30 =	simm.s32 $0xF000;
	s31 =	simm.s32 $0xF800;
	s12 =	simm.s32 $0x5  }
0x7: {  	s13 =	simm.s32 $0x10800;
	s14 =	simm.s32 $0x2;
	s4 =	sand.u32 $0x1, s4  }
0x8: {  	s15 =	simm.s32 $0x6;
	s5 =	sshll.u32 s5, $0xC;
	s6 =	sshll.u32 s4, $0xB  }
0x9: {  	s16 =	simm.s32 $0x3;
	s7 =	ssub.s32 $0x2, s4;
	s4 =	sor.u32 s6, s5  }
0xa: {  	s17 =	simm.s32 $0x7;
	[smem:$0x7FF] =	sst s3;
	s8 =	sshrl.u32 s4, $0x3  }
0xb: {  	_ =	strace $0x80000047;
	s6 =	sshll.u32 s4, $0x5;
	s0 =	sadd.s32 s0, s8  }
0xc: {  	s23 =	sshrl.u32 s7, $0x1;
	s24 =	sadd.s32 s1, s6;
	[dreg:$0x4] =	wrdreg s0  }
0xd: {  	s5 =	ssub.s32 s7, s23;
	s25 =	sadd.s32 s2, s8;
	[dreg:$0x5] =	wrdreg s24  }
0xe: {  	s18 =	simm.s32 $0x4;
	s26 =	smax.u32 s5, $0x1;
	[dreg:$0x8] =	wrdreg s25  }
0xf: {  	v2 =	vlaneseq.u32;
	s19 =	simm.s32 $0x8;
	s6 =	sadd.s32 $0x400, s24;
	[dreg:$0x9] =	wrdreg s26  }
0x10: {  	vm0 =	vmmov $0xffff;
	vm1 =	vcmask $0x3F3C;
	s21 =	simm.s32 $0x0;
	v1 =	vshrl.u32 v2, $0x3;
	s0 =	sadd.s32 $0x800, s24;
	[dreg:$0x6] =	wrdreg s6  }
0x11: {  	v0 =	vand.u32 $0x7, v2;
	v2 =	vor.u32 $0x8, v2;
	v1 =	vmul.u32 $0x8, v1;
	s2 =	simm.s32 $0x1;
	[dreg:$0x7] =	wrdreg s0;
	s0 =	simm.s32 $0x10000  }
.LBB2_1:
0x12: {  	s5 =	rddreg [dreg:$0x4]  }
0x13: {  	[tilespmem:s3], [sflag:$0x9] =	stream.linear.gather [hbm4b:s5+s3], $0x800, $0x38;
	[tilespmem:$0x11080] =	vst v63  }
0x14: {  	_ =	swait.ge [sflag:s11], $0x800  }
0x15: {  	[sflag:s11] =	ssyncset.done $0x0  }
0x16: {  	s6 =	simm.s32 $0x800;
	s10 =	rddreg [dreg:$0x5];
	[sflag:s11] =	ssyncadd.s32 $0xFFFFF800  }
0x17: {  	[tilespmem:s6], [sflag:$0x1] =	stream.linear.gather [hbm4b:s10+s3], $0x2000, $0x38;
	[tilespmem:$0x11080] =	vst v63  }
0x18: {  	v3 =	vld [tilespmem:$0x0];
	_ =	sdelay $0x4  }
0x19: {  	v4 =	vshll.u32 v3, $0x1  }
0x1a: {  	v3 =	vand.u32 $0x7, v3;
	v4 =	vand.u32 $0xFFFFFFF0, v4  }
0x1b: {  	v3 =	vor.u32 v3, v4  }
0x1c: {  	v4 =	vperm.xlane v3, v0;
	_ =	sdelay $0x1  }
0x1d: {  	v3 =	vperm.xlane v3, v2;
	v4 =	vadd.s32 v1, v4;
	_ =	sdelay $0x1  }
0x1e: {  	v3 =	vadd.s32 v1, v3;
	_ =	sdelay $0x1  }
0x1f: {  	s20 =	simm.s32 $0x8800  }
0x20: {  	[tilespmem:s20], [sflag:$0x5] =	stream.indirect_vreg.gather [hbm4b:s1+s3], $0x80, v4, vm0, $0xb8;
	[tilespmem:$0x11080] =	vst v63  }
0x21: {  	s22 =	simm.s32 $0x9000  }
0x22: {  	[tilespmem:s22], [sflag:$0x5] =	stream.indirect_vreg.gather [hbm4b:s1+s3], $0x80, v3, vm0, $0xb8;
	[tilespmem:$0x11080] =	vst v63  }
0x23: {  	v3 =	vld [tilespmem:$0x10];
	_ =	sdelay $0x4  }
0x24: {  	v59 =	vshll.u32 v3, $0x1  }
0x25: {  	v3 =	vand.u32 $0x7, v3;
	v4 =	vand.u32 $0xFFFFFFF0, v59  }
0x26: {  	v3 =	vor.u32 v3, v4  }
0x27: {  	v4 =	vperm.xlane v3, v0;
	_ =	sdelay $0x1  }
0x28: {  	v3 =	vperm.xlane v3, v2;
	v4 =	vadd.s32 v1, v4;
	_ =	sdelay $0x1  }
0x29: {  	v3 =	vadd.s32 v1, v3;
	_ =	sdelay $0x1  }
0x2a: {  	s23 =	simm.s32 $0x9800  }
0x2b: {  	[tilespmem:s23], [sflag:$0x5] =	stream.indirect_vreg.gather [hbm4b:s1+s3], $0x80, v4, vm0, $0xb8;
	[tilespmem:$0x11080] =	vst v63  }
0x2c: {  	s24 =	simm.s32 $0xA000  }
0x2d: {  	[tilespmem:s24], [sflag:$0x5] =	stream.indirect_vreg.gather [hbm4b:s1+s3], $0x80, v3, vm0, $0xb8;
	[tilespmem:$0x11080] =	vst v63  }
0x2e: {  	s26 =	simm.s32 $0x2800;
	s25 =	rddreg [dreg:$0x6]  }
0x2f: {  	[tilespmem:s26], [sflag:$0x2] =	stream.linear.gather [hbm4b:s25+s3], $0x2000, $0x38;
	[tilespmem:$0x11080] =	vst v63  }
0x30: {  	v3 =	vld [tilespmem:$0x20];
	_ =	sdelay $0x4  }
0x31: {  	v60 =	vshll.u32 v3, $0x1  }
0x32: {  	v3 =	vand.u32 $0x7, v3;
	v4 =	vand.u32 $0xFFFFFFF0, v60  }
0x33: {  	v3 =	vor.u32 v3, v4  }
0x34: {  	v4 =	vperm.xlane v3, v0;
	_ =	sdelay $0x1  }
0x35: {  	v3 =	vperm.xlane v3, v2;
	v4 =	vadd.s32 v1, v4;
	_ =	sdelay $0x1  }
0x36: {  	v3 =	vadd.s32 v1, v3;
	_ =	sdelay $0x1  }
0x37: {  	s7 =	simm.s32 $0xA800  }
0x38: {  	[tilespmem:s7], [sflag:$0x6] =	stream.indirect_vreg.gather [hbm4b:s1+s3], $0x80, v4, vm0, $0xb8;
	[tilespmem:$0x11080] =	vst v63  }
0x39: {  	s8 =	simm.s32 $0xB000  }
0x3a: {  	[tilespmem:s8], [sflag:$0x6] =	stream.indirect_vreg.gather [hbm4b:s1+s3], $0x80, v3, vm0, $0xb8;
	[tilespmem:$0x11080] =	vst v63  }
0x3b: {  	v3 =	vld [tilespmem:$0x30];
	_ =	sdelay $0x4  }
0x3c: {  	v61 =	vshll.u32 v3, $0x1  }
0x3d: {  	v3 =	vand.u32 $0x7, v3;
	v4 =	vand.u32 $0xFFFFFFF0, v61  }
0x3e: {  	v3 =	vor.u32 v3, v4  }
0x3f: {  	v4 =	vperm.xlane v3, v0;
	_ =	sdelay $0x1  }
0x40: {  	v3 =	vperm.xlane v3, v2;
	v4 =	vadd.s32 v1, v4;
	_ =	sdelay $0x1  }
0x41: {  	v3 =	vadd.s32 v1, v3;
	_ =	sdelay $0x1  }
0x42: {  	s9 =	simm.s32 $0xB800  }
0x43: {  	[tilespmem:s9], [sflag:$0x6] =	stream.indirect_vreg.gather [hbm4b:s1+s3], $0x80, v4, vm0, $0xb8;
	[tilespmem:$0x11080] =	vst v63  }
0x44: {  	s10 =	simm.s32 $0xC000  }
0x45: {  	[tilespmem:s10], [sflag:$0x6] =	stream.indirect_vreg.gather [hbm4b:s1+s3], $0x80, v3, vm0, $0xb8;
	[tilespmem:$0x11080] =	vst v63  }
0x46: {  	s20 =	rddreg [dreg:$0x7];
	s22 =	simm.s32 $0x4800  }
0x47: {  	[tilespmem:s22], [sflag:$0x3] =	stream.linear.gather [hbm4b:s20+s3], $0x2000, $0x38;
	[tilespmem:$0x11080] =	vst v63  }
0x48: {  	v3 =	vld [tilespmem:$0x40];
	_ =	sdelay $0x4  }
0x49: {  	v62 =	vshll.u32 v3, $0x1  }
0x4a: {  	v3 =	vand.u32 $0x7, v3;
	v4 =	vand.u32 $0xFFFFFFF0, v62  }
0x4b: {  	v3 =	vor.u32 v3, v4  }
0x4c: {  	v4 =	vperm.xlane v3, v0;
	_ =	sdelay $0x1  }
0x4d: {  	v3 =	vperm.xlane v3, v2;
	v4 =	vadd.s32 v1, v4;
	_ =	sdelay $0x1  }
0x4e: {  	v3 =	vadd.s32 v1, v3;
	_ =	sdelay $0x1  }
0x4f: {  	s23 =	simm.s32 $0xC800  }
0x50: {  	[tilespmem:s23], [sflag:$0x7] =	stream.indirect_vreg.gather [hbm4b:s1+s3], $0x80, v4, vm0, $0xb8;
	[tilespmem:$0x11080] =	vst v63  }
0x51: {  	s24 =	simm.s32 $0xD000  }
0x52: {  	[tilespmem:s24], [sflag:$0x7] =	stream.indirect_vreg.gather [hbm4b:s1+s3], $0x80, v3, vm0, $0xb8;
	[tilespmem:$0x11080] =	vst v63  }
0x53: {  	v3 =	vld [tilespmem:$0x50];
	_ =	sdelay $0x4  }
0x54: {  	v63 =	vshll.u32 v3, $0x1  }
0x55: {  	v3 =	vand.u32 $0x7, v3;
	v4 =	vand.u32 $0xFFFFFFF0, v63  }
0x56: {  	v3 =	vor.u32 v3, v4  }
0x57: {  	v4 =	vperm.xlane v3, v0;
	_ =	sdelay $0x1  }
0x58: {  	v3 =	vperm.xlane v3, v2;
	v4 =	vadd.s32 v1, v4;
	_ =	sdelay $0x1  }
0x59: {  	v3 =	vadd.s32 v1, v3;
	_ =	sdelay $0x1  }
0x5a: {  	s25 =	simm.s32 $0xD800  }
0x5b: {  	[tilespmem:s25], [sflag:$0x7] =	stream.indirect_vreg.gather [hbm4b:s1+s3], $0x80, v4, vm0, $0xb8;
	[tilespmem:$0x11080] =	vst v63  }
0x5c: {  	s26 =	simm.s32 $0xE000;
	s22 =	simm.s32 $0x0  }
0x5d: {  	[tilespmem:s26], [sflag:$0x7] =	stream.indirect_vreg.gather [hbm4b:s1+s3], $0x80, v3, vm0, $0xb8;
	[tilespmem:$0x11080] =	vst v63  }
.LBB2_2:
0x5e: {  	s23 =	sshll.u32 s22, $0x7  }
0x5f: {  	s24 =	sor.u32 $0x60, s23  }
0x60: {  	s5 =	sadd.s32 s4, s24  }
0x61: {  	s5 =	sshll.u32 s5, $0x5  }
0x62: {  	s25 =	simm.s32 $0x0;
	s5 =	sadd.s32 s1, s5  }
0x63: {  	[tilespmem:s28], [sflag:$0x4] =	stream.linear.gather [hbm4b:s5+s25], $0x2000, $0x38;
	[tilespmem:$0x11080] =	vst v63  }
0x64: {  	v3 =	vld [tilespmem:s23+$0x60];
	_ =	sdelay $0x4  }
0x65: {  	v4 =	vshll.u32 v3, $0x1  }
0x66: {  	v3 =	vand.u32 $0x7, v3;
	v4 =	vand.u32 $0xFFFFFFF0, v4  }
0x67: {  	v3 =	vor.u32 v3, v4  }
0x68: {  	v4 =	vperm.xlane v3, v0;
	_ =	sdelay $0x1  }
0x69: {  	v3 =	vperm.xlane v3, v2;
	v4 =	vadd.s32 v1, v4;
	_ =	sdelay $0x1  }
0x6a: {  	v3 =	vadd.s32 v1, v3;
	_ =	sdelay $0x2  }
0x6b: {  	[tilespmem:s29], [sflag:$0x8] =	stream.indirect_vreg.gather [hbm4b:s1+s25], $0x80, v4, vm0, $0xb8;
	[tilespmem:$0x11080] =	vst v63  }
0x6c: {  	_ = 	snop  }
0x6d: {  	[tilespmem:s30], [sflag:$0x8] =	stream.indirect_vreg.gather [hbm4b:s1+s25], $0x80, v3, vm0, $0xb8;
	[tilespmem:$0x11080] =	vst v63  }
0x6e: {  	v3 =	vld [tilespmem:s23+$0x70];
	_ =	sdelay $0x4  }
0x6f: {  	v4 =	vshll.u32 v3, $0x1  }
0x70: {  	v3 =	vand.u32 $0x7, v3;
	v4 =	vand.u32 $0xFFFFFFF0, v4  }
0x71: {  	v3 =	vor.u32 v3, v4  }
0x72: {  	v4 =	vperm.xlane v3, v0;
	_ =	sdelay $0x1  }
0x73: {  	v3 =	vperm.xlane v3, v2;
	v4 =	vadd.s32 v1, v4;
	_ =	sdelay $0x1  }
0x74: {  	v3 =	vadd.s32 v1, v3;
	_ =	sdelay $0x2  }
0x75: {  	[tilespmem:s31], [sflag:$0x8] =	stream.indirect_vreg.gather [hbm4b:s1+s25], $0x80, v4, vm0, $0xb8;
	[tilespmem:$0x11080] =	vst v63  }
0x76: {  	_ = 	snop  }
0x77: {  	[tilespmem:s0], [sflag:$0x8] =	stream.indirect_vreg.gather [hbm4b:s1+s25], $0x80, v3, vm0, $0xb8;
	[tilespmem:$0x11080] =	vst v63  }
0x78: {  	_ =	swait.ge [sflag:s2], $0x2000  }
0x79: {  	[sflag:s2] =	ssyncset.done $0x0  }
0x7a: {  	[sflag:s2] =	ssyncadd.s32 $0xFFFFE000  }
0x7b: {  	_ =	swait.ge [sflag:s12], $0x2000  }
0x7c: {  	s26 =	sand.u32 $0x1800, s25;
	s7 =	sand.u32 $0x380, s25;
	[sflag:s12] =	ssyncset.done $0x0  }
0x7d: {  	s8 =	sor.u32 s7, s26;
	[sflag:s12] =	ssyncadd.s32 $0xFFFFE000  }
0x7e: {  	v3 =	vld [tilespmem:s8+$0x800]  }
0x7f: {  	v4 =	vld [tilespmem:s8+$0x8800]  }
0x80: {  	v5 =	vld [tilespmem:s8+$0x810]  }
0x81: {  	v6 =	vld [tilespmem:s8+$0x8810]  }
0x82: {  	v7 =	vld [tilespmem:s8+$0x820]  }
0x83: {  	v8 =	vld [tilespmem:s8+$0x8820]  }
0x84: {  	v9 =	vld [tilespmem:s8+$0x830]  }
0x85: {  	v10 =	vld [tilespmem:s8+$0x8830]  }
0x86: {  	v3 =	vsub.f32 v3, v4;
	v4 =	vsub.f32 v5, v6;
	v5 =	vld [tilespmem:s8+$0x840]  }
0x87: {  	v6 =	vld [tilespmem:s8+$0x8840]  }
0x88: {  	v7 =	vsub.f32 v7, v8;
	v8 =	vld [tilespmem:s8+$0x850];
	v3 =	vand.u32 $0x7FFFFFFF, v3;
	v4 =	vand.u32 $0x7FFFFFFF, v4  }
0x89: {  	v3 =	vadd.f32 v4, v3;
	v4 =	vld [tilespmem:s8+$0x8850]  }
0x8a: {  	v9 =	vsub.f32 v9, v10;
	v10 =	vld [tilespmem:s8+$0x860];
	v7 =	vand.u32 $0x7FFFFFFF, v7  }
0x8b: {  	v3 =	vadd.f32 v7, v3;
	v7 =	vld [tilespmem:s8+$0x8860]  }
0x8c: {  	v9 =	vand.u32 $0x7FFFFFFF, v9;
	v5 =	vsub.f32 v5, v6;
	v6 =	vld [tilespmem:s8+$0x870]  }
0x8d: {  	v3 =	vadd.f32 v9, v3;
	v9 =	vld [tilespmem:s8+$0x8870]  }
0x8e: {  	v5 =	vand.u32 $0x7FFFFFFF, v5;
	v4 =	vsub.f32 v8, v4;
	v8 =	vld [tilespmem:s8+$0xC00]  }
0x8f: {  	v3 =	vadd.f32 v5, v3;
	v5 =	vld [tilespmem:s8+$0x8C00]  }
0x90: {  	v4 =	vand.u32 $0x7FFFFFFF, v4;
	v7 =	vsub.f32 v10, v7;
	v10 =	vld [tilespmem:s8+$0xC10]  }
0x91: {  	v3 =	vadd.f32 v4, v3;
	v4 =	vld [tilespmem:s8+$0x8C10]  }
0x92: {  	v7 =	vand.u32 $0x7FFFFFFF, v7;
	v6 =	vsub.f32 v6, v9;
	v9 =	vld [tilespmem:s8+$0xC20]  }
0x93: {  	v3 =	vadd.f32 v7, v3;
	v7 =	vld [tilespmem:s8+$0x8C20]  }
0x94: {  	v6 =	vand.u32 $0x7FFFFFFF, v6;
	v5 =	vsub.f32 v8, v5;
	v8 =	vld [tilespmem:s8+$0xC30]  }
0x95: {  	v3 =	vadd.f32 v6, v3;
	v6 =	vld [tilespmem:s8+$0x8C30]  }
0x96: {  	v5 =	vand.u32 $0x7FFFFFFF, v5;
	v4 =	vsub.f32 v10, v4;
	v10 =	vld [tilespmem:s8+$0xC40]  }
0x97: {  	v3 =	vadd.f32 v5, v3;
	v5 =	vld [tilespmem:s8+$0x8C40]  }
0x98: {  	v11 =	vld [tilespmem:s8+$0xC50];
	v4 =	vand.u32 $0x7FFFFFFF, v4;
	v7 =	vsub.f32 v9, v7  }
0x99: {  	v12 =	vld [tilespmem:s8+$0x8C50];
	v4 =	vadd.f32 v4, v3  }
0x9a: {  	v3 =	vld [tilespmem:s8+$0xC60];
	v7 =	vand.u32 $0x7FFFFFFF, v7;
	v6 =	vsub.f32 v8, v6  }
0x9b: {  	s7 =	simm.s32 $0x100;
	s5 =	simm.s32 $0x80;
	v7 =	vadd.f32 v7, v4;
	v4 =	vld [tilespmem:s8+$0x8C60]  }
0x9c: {  	s9 =	sand.u32 $0x1800, s7;
	s20 =	sand.u32 $0x380, s5;
	v6 =	vand.u32 $0x7FFFFFFF, v6;
	v8 =	vsub.f32 v10, v5;
	v5 =	vld [tilespmem:s8+$0xC70]  }
0x9d: {  	s20 =	sor.u32 s20, s9;
	v13 =	vadd.f32 v6, v7;
	v6 =	vld [tilespmem:s8+$0x8C70]  }
0x9e: {  	v9 =	vld [tilespmem:s20+$0x800];
	v7 =	vsub.f32 v11, v12;
	v8 =	vand.u32 $0x7FFFFFFF, v8  }
0x9f: {  	s26 =	simm.s32 $0x1;
	v10 =	vld [tilespmem:s20+$0x8800];
	s8 =	simm.s32 $0x2;
	v8 =	vadd.f32 v8, v13  }
.LBB2_3:
0xa0: {  	p0 =	sne.s32 s8, $0x1F;
	v11 =	vld [tilespmem:s20+$0x810];
	v7 =	vand.u32 $0x7FFFFFFF, v7;
	v3 =	vsub.f32 v3, v4  }
0xa1: {  	v4 =	vld [tilespmem:s20+$0x8810];
	v7 =	vadd.f32 v7, v8  }
0xa2: {  	v8 =	vld [tilespmem:s20+$0x820];
	v3 =	vand.u32 $0x7FFFFFFF, v3;
	v5 =	vsub.f32 v5, v6  }
0xa3: {  	v6 =	vld [tilespmem:s20+$0x8820];
	v3 =	vadd.f32 v3, v7  }
0xa4: {  	v7 =	vld [tilespmem:s20+$0x830];
	v5 =	vand.u32 $0x7FFFFFFF, v5  }
0xa5: {  	v12 =	vld [tilespmem:s20+$0x8830];
	v3 =	vadd.f32 v5, v3  }
0xa6: {  	v5 =	vsub.f32 v9, v10;
	v4 =	vsub.f32 v11, v4;
	v9 =	vld [tilespmem:s20+$0x840]  }
0xa7: {  	v10 =	vld [tilespmem:s20+$0x8840];
	(xrf2) =	vadd.scan.msk.f32 $0xffff, v3  }
0xa8: {  	v3 =	vand.u32 $0x7FFFFFFF, v5;
	v4 =	vand.u32 $0x7FFFFFFF, v4;
	v5 =	vsub.f32 v8, v6;
	v6 =	vld [tilespmem:s20+$0x850]  }
0xa9: {  	v3 =	vadd.f32 v4, v3;
	v4 =	vld [tilespmem:s20+$0x8850]  }
0xaa: {  	v5 =	vand.u32 $0x7FFFFFFF, v5;
	v7 =	vsub.f32 v7, v12;
	v8 =	vld [tilespmem:s20+$0x860]  }
0xab: {  	v3 =	vadd.f32 v5, v3;
	v5 =	vld [tilespmem:s20+$0x8860]  }
0xac: {  	v7 =	vand.u32 $0x7FFFFFFF, v7;
	v9 =	vsub.f32 v9, v10;
	v10 =	vld [tilespmem:s20+$0x870]  }
0xad: {  	v11 =	vmov s25;
	s25 =	smov.u32 s26;
	s26 =	smov.u32 s8;
	v3 =	vadd.f32 v7, v3;
	v7 =	vld [tilespmem:s20+$0x8870]  }
0xae: {  	v9 =	vand.u32 $0x7FFFFFFF, v9;
	v4 =	vsub.f32 v6, v4;
	v6 =	vld [tilespmem:s20+$0xC00]  }
0xaf: {  	v3 =	vadd.f32 v9, v3;
	v9 =	vld [tilespmem:s20+$0x8C00]  }
0xb0: {  	v4 =	vand.u32 $0x7FFFFFFF, v4;
	v5 =	vsub.f32 v8, v5;
	v8 =	vld [tilespmem:s20+$0xC10]  }
0xb1: {  	v3 =	vadd.f32 v4, v3;
	v4 =	vld [tilespmem:s20+$0x8C10];
	v12, _, _ =	vpop (xrf2)  }
0xb2: {  	v5 =	vand.u32 $0x7FFFFFFF, v5;
	v7 =	vsub.f32 v10, v7;
	v10 =	vld [tilespmem:s20+$0xC20];
	[tilespmem:v11+s13+$0x0] =	vst.idx.msk vm1, v12  }
0xb3: {  	v3 =	vadd.f32 v5, v3;
	v5 =	vld [tilespmem:s20+$0x8C20]  }
0xb4: {  	v7 =	vand.u32 $0x7FFFFFFF, v7;
	v6 =	vsub.f32 v6, v9;
	v9 =	vld [tilespmem:s20+$0xC30]  }
0xb5: {  	v3 =	vadd.f32 v7, v3;
	v7 =	vld [tilespmem:s20+$0x8C30]  }
0xb6: {  	v6 =	vand.u32 $0x7FFFFFFF, v6;
	v4 =	vsub.f32 v8, v4;
	v8 =	vld [tilespmem:s20+$0xC40]  }
0xb7: {  	v3 =	vadd.f32 v6, v3;
	v6 =	vld [tilespmem:s20+$0x8C40]  }
0xb8: {  	v4 =	vand.u32 $0x7FFFFFFF, v4;
	v5 =	vsub.f32 v10, v5;
	v10 =	vld [tilespmem:s20+$0xC50]  }
0xb9: {  	v4 =	vadd.f32 v4, v3;
	v11 =	vld [tilespmem:s20+$0x8C50]  }
0xba: {  	v5 =	vand.u32 $0x7FFFFFFF, v5;
	v7 =	vsub.f32 v9, v7;
	v3 =	vld [tilespmem:s20+$0xC60]  }
.Ltmp0:
0xbb: {  	s5 =	sadd.s32 $0x80, s5;
	s7 =	sadd.s32 $0x100, s7;
	v9 =	vadd.f32 v5, v4;
	v4 =	vld [tilespmem:s20+$0x8C60];
	(pc) =	sbr.rel @p0 .LBB2_3-.Ltmp0, $4  }
0xbc: {  	s9 =	sand.u32 $0x1800, s7;
	s10 =	sand.u32 $0x380, s5;
	v7 =	vand.u32 $0x7FFFFFFF, v7;
	v8 =	vsub.f32 v8, v6;
	v5 =	vld [tilespmem:s20+$0xC70]  }
0xbd: {  	v12 =	vadd.f32 v7, v9;
	v6 =	vld [tilespmem:s20+$0x8C70];
	s20 =	sor.u32 s10, s9  }
0xbe: {  	v9 =	vld [tilespmem:s20+$0x800];
	v8 =	vand.u32 $0x7FFFFFFF, v8;
	v7 =	vsub.f32 v10, v11  }
0xbf: {  	s8 =	sadd.s32 $0x1, s8;
	v10 =	vld [tilespmem:s20+$0x8800];
	v8 =	vadd.f32 v8, v12  }
0xc0: {  	v11 =	vld [tilespmem:s20+$0x810]  }
0xc1: {  	v12 =	vld [tilespmem:s20+$0x8810]  }
0xc2: {  	v13 =	vld [tilespmem:s20+$0x820]  }
0xc3: {  	v14 =	vld [tilespmem:s20+$0x8820]  }
0xc4: {  	v15 =	vld [tilespmem:s20+$0x830]  }
0xc5: {  	v16 =	vld [tilespmem:s20+$0x8830]  }
0xc6: {  	v44 =	vld [tilespmem:s20+$0x8840];
	v9 =	vsub.f32 v9, v10;
	v10 =	vsub.f32 v11, v12  }
0xc7: {  	v11 =	vld [tilespmem:s20+$0x840]  }
0xc8: {  	v45 =	vld [tilespmem:s20+$0x850];
	v13 =	vsub.f32 v13, v14;
	v9 =	vand.u32 $0x7FFFFFFF, v9;
	v10 =	vand.u32 $0x7FFFFFFF, v10  }
0xc9: {  	v9 =	vadd.f32 v10, v9;
	v10 =	vld [tilespmem:s20+$0x8850]  }
0xca: {  	v46 =	vld [tilespmem:s20+$0x860];
	v15 =	vsub.f32 v15, v16;
	v13 =	vand.u32 $0x7FFFFFFF, v13  }
0xcb: {  	v47 =	vld [tilespmem:s20+$0x8860];
	v9 =	vadd.f32 v13, v9  }
0xcc: {  	v48 =	vld [tilespmem:s20+$0x870];
	v15 =	vand.u32 $0x7FFFFFFF, v15;
	v11 =	vsub.f32 v11, v44  }
0xcd: {  	v49 =	vld [tilespmem:s20+$0x8870];
	v9 =	vadd.f32 v15, v9  }
0xce: {  	v50 =	vld [tilespmem:s20+$0xC00];
	v11 =	vand.u32 $0x7FFFFFFF, v11;
	v10 =	vsub.f32 v45, v10  }
0xcf: {  	v9 =	vadd.f32 v11, v9;
	v11 =	vld [tilespmem:s20+$0x8C00]  }
0xd0: {  	v51 =	vld [tilespmem:s20+$0xC10];
	v13 =	vsub.f32 v46, v47;
	v10 =	vand.u32 $0x7FFFFFFF, v10  }
0xd1: {  	v9 =	vadd.f32 v10, v9;
	v10 =	vld [tilespmem:s20+$0x8C10]  }
0xd2: {  	v52 =	vld [tilespmem:s20+$0xC20];
	v12 =	vsub.f32 v48, v49;
	v13 =	vand.u32 $0x7FFFFFFF, v13  }
0xd3: {  	v53 =	vld [tilespmem:s20+$0x8C20];
	v9 =	vadd.f32 v13, v9  }
0xd4: {  	v54 =	vld [tilespmem:s20+$0xC30];
	v12 =	vand.u32 $0x7FFFFFFF, v12;
	v11 =	vsub.f32 v50, v11  }
0xd5: {  	v55 =	vld [tilespmem:s20+$0x8C30];
	v9 =	vadd.f32 v12, v9  }
0xd6: {  	v56 =	vld [tilespmem:s20+$0xC40];
	v11 =	vand.u32 $0x7FFFFFFF, v11;
	v10 =	vsub.f32 v51, v10  }
0xd7: {  	v9 =	vadd.f32 v11, v9;
	v11 =	vld [tilespmem:s20+$0x8C40]  }
0xd8: {  	v57 =	vld [tilespmem:s20+$0xC50];
	v13 =	vsub.f32 v52, v53;
	v10 =	vand.u32 $0x7FFFFFFF, v10  }
0xd9: {  	v9 =	vadd.f32 v10, v9;
	v10 =	vld [tilespmem:s20+$0x8C50]  }
0xda: {  	v58 =	vld [tilespmem:s20+$0xC60];
	v13 =	vand.u32 $0x7FFFFFFF, v13;
	v12 =	vsub.f32 v54, v55  }
0xdb: {  	v59 =	vld [tilespmem:s20+$0x8C60];
	v9 =	vadd.f32 v13, v9  }
0xdc: {  	v60 =	vld [tilespmem:s20+$0xC70];
	v12 =	vand.u32 $0x7FFFFFFF, v12;
	v11 =	vsub.f32 v56, v11  }
0xdd: {  	v61 =	vld [tilespmem:s20+$0x8C70];
	v9 =	vadd.f32 v12, v9  }
0xde: {  	v10 =	vsub.f32 v57, v10;
	v11 =	vand.u32 $0x7FFFFFFF, v11  }
0xdf: {  	v3 =	vsub.f32 v3, v4;
	v7 =	vand.u32 $0x7FFFFFFF, v7;
	v4 =	vadd.f32 v11, v9  }
0xe0: {  	v7 =	vadd.f32 v7, v8;
	v9 =	vsub.f32 v58, v59;
	v8 =	vand.u32 $0x7FFFFFFF, v10  }
0xe1: {  	v3 =	vand.u32 $0x7FFFFFFF, v3;
	v5 =	vsub.f32 v5, v6;
	v4 =	vadd.f32 v8, v4  }
0xe2: {  	v3 =	vadd.f32 v3, v7;
	v7 =	vsub.f32 v60, v61;
	v6 =	vand.u32 $0x7FFFFFFF, v9  }
0xe3: {  	v5 =	vand.u32 $0x7FFFFFFF, v5;
	v4 =	vadd.f32 v6, v4  }
0xe4: {  	v3 =	vadd.f32 v5, v3;
	v5 =	vand.u32 $0x7FFFFFFF, v7  }
0xe5: {  	v4 =	vadd.f32 v5, v4  }
0xe6: {  	(xrf2) =	vadd.scan.msk.f32 $0xffff, v3  }
0xe7: {  	(xrf2) =	vadd.scan.msk.f32 $0xffff, v4;
	_ =	sdelay $0x4  }
0xe8: {  	v3 =	vmov s25  }
0xe9: {  	v4 =	vmov s26;
	_ =	sdelay $0x2  }
0xea: {  	v5, _, _ =	vpop (xrf2)  }
0xeb: {  	[tilespmem:v3+s13+$0x0] =	vst.idx.msk vm1, v5;
	v3, _, _ =	vpop (xrf2)  }
0xec: {  	[tilespmem:v4+s13+$0x0] =	vst.idx.msk vm1, v3  }
0xed: {  	v3 =	vld [tilespmem:$0x10800];
	_ =	sdelay $0x4  }
0xee: {  	v3 =	vsub.f32 $0.0e+00, v3;
	_ =	sdelay $0x1  }
0xef: {  	v3 =	vmul.f32 $1.442695020e+00, v3;
	_ =	sdelay $0x1  }
0xf0: {  	(erf) = vpow2.f32 v3;
	_ =	sdelay $0x8  }
0xf1: {  	s25 =	sand.u32 $0x3FFFFF80, s23;
	v3 =	vpop (erf)  }
0xf2: {  	[tilespmem:s25+$0x10880] =	vst v3  }
0xf3: {  	v3 =	vld [tilespmem:$0x10810];
	_ =	sdelay $0x4  }
0xf4: {  	v3 =	vsub.f32 $0.0e+00, v3;
	_ =	sdelay $0x1  }
0xf5: {  	v3 =	vmul.f32 $1.442695020e+00, v3;
	_ =	sdelay $0x1  }
0xf6: {  	(erf) = vpow2.f32 v3;
	_ =	sdelay $0x5  }
0xf7: {  	p0 =	seq.s32 s22, $0xF  }
0xf8: {  	s5 =	sadd.s32 @!p0 $0x80, s23  }
0xf9: {  	s5 =	sadd.s32 @!p0 s4, s5  }
0xfa: {  	s5 =	sshll.u32 @!p0 s5, $0x5;
	v3 =	vpop (erf)  }
0xfb: {  	s7 =	simm.s32 @!p0 $0x0;
	s8 =	simm.s32 @!p0 $0x800;
	s5 =	sadd.s32 @!p0 s1, s5;
	[tilespmem:s25+$0x10890] =	vst v3  }
0xfc: {  	[tilespmem:s8], [sflag:$0x1] =	stream.linear.gather @!p0 [hbm4b:s5+s7], $0x2000, $0x38;
	[tilespmem:$0x11080] =	vst v63  }
0xfd: {  	v3 =	vld @!p0 [tilespmem:s23+$0x80];
	_ =	sdelay $0x4  }
0xfe: {  	v4 =	vshll.u32 @!p0 v3, $0x1  }
0xff: {  	v5 =	vlaneseq.u32 @!p0;
	v3 =	vand.u32 @!p0 $0x7, v3;
	v4 =	vand.u32 @!p0 $0xFFFFFFF0, v4  }
0x100: {  	v6 =	vshrl.u32 @!p0 v5, $0x3;
	v3 =	vor.u32 @!p0 v3, v4;
	v4 =	vand.u32 @!p0 $0x7, v5  }
0x101: {  	v6 =	vmul.u32 @!p0 $0x8, v6;
	v7 =	vperm.xlane @!p0 v3, v4  }
0x102: {  	v5 =	vor.u32 @!p0 $0x8, v5  }
0x103: {  	v3 =	vperm.xlane @!p0 v3, v5;
	v7 =	vadd.s32 @!p0 v6, v7;
	_ =	sdelay $0x1  }
0x104: {  	v3 =	vadd.s32 @!p0 v6, v3;
	_ =	sdelay $0x1  }
0x105: {  	vm2 =	vmmov @!p0 $0xffff;
	s5 =	simm.s32 @!p0 $0x8800  }
0x106: {  	[tilespmem:s5], [sflag:$0x5] =	stream.indirect_vreg.gather @!p0 [hbm4b:s1+s7], $0x80, v7, vm2, $0xb8;
	[tilespmem:$0x11080] =	vst v63  }
0x107: {  	s5 =	simm.s32 @!p0 $0x9000  }
0x108: {  	[tilespmem:s5], [sflag:$0x5] =	stream.indirect_vreg.gather @!p0 [hbm4b:s1+s7], $0x80, v3, vm2, $0xb8;
	[tilespmem:$0x11080] =	vst v63  }
0x109: {  	v3 =	vld @!p0 [tilespmem:s23+$0x90];
	_ =	sdelay $0x4  }
0x10a: {  	v7 =	vshll.u32 @!p0 v3, $0x1  }
0x10b: {  	v3 =	vand.u32 @!p0 $0x7, v3;
	v7 =	vand.u32 @!p0 $0xFFFFFFF0, v7  }
0x10c: {  	v3 =	vor.u32 @!p0 v3, v7  }
0x10d: {  	v4 =	vperm.xlane @!p0 v3, v4;
	_ =	sdelay $0x1  }
0x10e: {  	v3 =	vperm.xlane @!p0 v3, v5;
	v4 =	vadd.s32 @!p0 v6, v4;
	_ =	sdelay $0x1  }
0x10f: {  	v3 =	vadd.s32 @!p0 v6, v3;
	_ =	sdelay $0x1  }
0x110: {  	s5 =	simm.s32 @!p0 $0x9800  }
0x111: {  	[tilespmem:s5], [sflag:$0x5] =	stream.indirect_vreg.gather @!p0 [hbm4b:s1+s7], $0x80, v4, vm2, $0xb8;
	[tilespmem:$0x11080] =	vst v63  }
0x112: {  	s5 =	simm.s32 @!p0 $0xA000  }
0x113: {  	[tilespmem:s5], [sflag:$0x5] =	stream.indirect_vreg.gather @!p0 [hbm4b:s1+s7], $0x80, v3, vm2, $0xb8;
	[tilespmem:$0x11080] =	vst v63  }
0x114: {  	_ =	swait.ge [sflag:s14], $0x2000  }
0x115: {  	[sflag:s14] =	ssyncset.done $0x0  }
0x116: {  	[sflag:s14] =	ssyncadd.s32 $0xFFFFE000  }
0x117: {  	s26 =	simm.s32 $0x0;
	_ =	swait.ge [sflag:s15], $0x2000  }
0x118: {  	s9 =	sand.u32 $0x1800, s26;
	s10 =	sand.u32 $0x380, s26;
	[sflag:s15] =	ssyncset.done $0x0  }
0x119: {  	s9 =	sor.u32 s10, s9;
	[sflag:s15] =	ssyncadd.s32 $0xFFFFE000  }
0x11a: {  	v3 =	vld [tilespmem:s9+$0x2800]  }
0x11b: {  	v4 =	vld [tilespmem:s9+$0xA800]  }
0x11c: {  	v5 =	vld [tilespmem:s9+$0x2810]  }
0x11d: {  	v6 =	vld [tilespmem:s9+$0xA810]  }
0x11e: {  	v7 =	vld [tilespmem:s9+$0x2820]  }
0x11f: {  	v8 =	vld [tilespmem:s9+$0xA820]  }
0x120: {  	v9 =	vld [tilespmem:s9+$0x2830]  }
0x121: {  	v10 =	vld [tilespmem:s9+$0xA830]  }
0x122: {  	v3 =	vsub.f32 v3, v4;
	v4 =	vsub.f32 v5, v6;
	v5 =	vld [tilespmem:s9+$0x2840]  }
0x123: {  	v6 =	vld [tilespmem:s9+$0xA840]  }
0x124: {  	v7 =	vsub.f32 v7, v8;
	v8 =	vld [tilespmem:s9+$0x2850];
	v3 =	vand.u32 $0x7FFFFFFF, v3;
	v4 =	vand.u32 $0x7FFFFFFF, v4  }
0x125: {  	v3 =	vadd.f32 v4, v3;
	v4 =	vld [tilespmem:s9+$0xA850]  }
0x126: {  	v9 =	vsub.f32 v9, v10;
	v10 =	vld [tilespmem:s9+$0x2860];
	v7 =	vand.u32 $0x7FFFFFFF, v7  }
0x127: {  	v3 =	vadd.f32 v7, v3;
	v7 =	vld [tilespmem:s9+$0xA860]  }
0x128: {  	v9 =	vand.u32 $0x7FFFFFFF, v9;
	v5 =	vsub.f32 v5, v6;
	v6 =	vld [tilespmem:s9+$0x2870]  }
0x129: {  	v3 =	vadd.f32 v9, v3;
	v9 =	vld [tilespmem:s9+$0xA870]  }
0x12a: {  	v5 =	vand.u32 $0x7FFFFFFF, v5;
	v4 =	vsub.f32 v8, v4;
	v8 =	vld [tilespmem:s9+$0x2C00]  }
0x12b: {  	v3 =	vadd.f32 v5, v3;
	v5 =	vld [tilespmem:s9+$0xAC00]  }
0x12c: {  	v4 =	vand.u32 $0x7FFFFFFF, v4;
	v7 =	vsub.f32 v10, v7;
	v10 =	vld [tilespmem:s9+$0x2C10]  }
0x12d: {  	v3 =	vadd.f32 v4, v3;
	v4 =	vld [tilespmem:s9+$0xAC10]  }
0x12e: {  	v7 =	vand.u32 $0x7FFFFFFF, v7;
	v6 =	vsub.f32 v6, v9;
	v9 =	vld [tilespmem:s9+$0x2C20]  }
0x12f: {  	v3 =	vadd.f32 v7, v3;
	v7 =	vld [tilespmem:s9+$0xAC20]  }
0x130: {  	v6 =	vand.u32 $0x7FFFFFFF, v6;
	v5 =	vsub.f32 v8, v5;
	v8 =	vld [tilespmem:s9+$0x2C30]  }
0x131: {  	v3 =	vadd.f32 v6, v3;
	v6 =	vld [tilespmem:s9+$0xAC30]  }
0x132: {  	v5 =	vand.u32 $0x7FFFFFFF, v5;
	v4 =	vsub.f32 v10, v4;
	v10 =	vld [tilespmem:s9+$0x2C40]  }
0x133: {  	v3 =	vadd.f32 v5, v3;
	v5 =	vld [tilespmem:s9+$0xAC40]  }
0x134: {  	v11 =	vld [tilespmem:s9+$0x2C50];
	v4 =	vand.u32 $0x7FFFFFFF, v4;
	v7 =	vsub.f32 v9, v7  }
0x135: {  	v62 =	vld [tilespmem:s9+$0xAC50];
	v4 =	vadd.f32 v4, v3  }
0x136: {  	v3 =	vld [tilespmem:s9+$0x2C60];
	v7 =	vand.u32 $0x7FFFFFFF, v7;
	v6 =	vsub.f32 v8, v6  }
0x137: {  	s8 =	simm.s32 $0x100;
	s7 =	simm.s32 $0x80;
	v7 =	vadd.f32 v7, v4;
	v4 =	vld [tilespmem:s9+$0xAC60]  }
0x138: {  	s20 =	sand.u32 $0x1800, s8;
	s10 =	sand.u32 $0x380, s7;
	v6 =	vand.u32 $0x7FFFFFFF, v6;
	v8 =	vsub.f32 v10, v5;
	v5 =	vld [tilespmem:s9+$0x2C70]  }
0x139: {  	s5 =	sor.u32 s10, s20;
	v63 =	vadd.f32 v6, v7;
	v6 =	vld [tilespmem:s9+$0xAC70]  }
0x13a: {  	v9 =	vld [tilespmem:s5+$0x2800];
	v7 =	vsub.f32 v11, v62;
	v8 =	vand.u32 $0x7FFFFFFF, v8  }
0x13b: {  	s20 =	simm.s32 $0x1;
	v10 =	vld [tilespmem:s5+$0xA800];
	s9 =	simm.s32 $0x2;
	v8 =	vadd.f32 v8, v63  }
.LBB2_5:
0x13c: {  	p1 =	sne.s32 s9, $0x1F;
	v11 =	vld [tilespmem:s5+$0x2810];
	v7 =	vand.u32 $0x7FFFFFFF, v7;
	v3 =	vsub.f32 v3, v4  }
0x13d: {  	v4 =	vld [tilespmem:s5+$0xA810];
	v7 =	vadd.f32 v7, v8  }
0x13e: {  	v8 =	vld [tilespmem:s5+$0x2820];
	v3 =	vand.u32 $0x7FFFFFFF, v3;
	v5 =	vsub.f32 v5, v6  }
0x13f: {  	v6 =	vld [tilespmem:s5+$0xA820];
	v3 =	vadd.f32 v3, v7  }
0x140: {  	v7 =	vld [tilespmem:s5+$0x2830];
	v5 =	vand.u32 $0x7FFFFFFF, v5  }
0x141: {  	v12 =	vld [tilespmem:s5+$0xA830];
	v3 =	vadd.f32 v5, v3  }
0x142: {  	v5 =	vsub.f32 v9, v10;
	v4 =	vsub.f32 v11, v4;
	v9 =	vld [tilespmem:s5+$0x2840]  }
0x143: {  	v10 =	vld [tilespmem:s5+$0xA840];
	(xrf2) =	vadd.scan.msk.f32 $0xffff, v3  }
0x144: {  	v3 =	vand.u32 $0x7FFFFFFF, v5;
	v4 =	vand.u32 $0x7FFFFFFF, v4;
	v5 =	vsub.f32 v8, v6;
	v6 =	vld [tilespmem:s5+$0x2850]  }
0x145: {  	v3 =	vadd.f32 v4, v3;
	v4 =	vld [tilespmem:s5+$0xA850]  }
0x146: {  	v5 =	vand.u32 $0x7FFFFFFF, v5;
	v7 =	vsub.f32 v7, v12;
	v8 =	vld [tilespmem:s5+$0x2860]  }
0x147: {  	v3 =	vadd.f32 v5, v3;
	v5 =	vld [tilespmem:s5+$0xA860]  }
0x148: {  	v7 =	vand.u32 $0x7FFFFFFF, v7;
	v9 =	vsub.f32 v9, v10;
	v10 =	vld [tilespmem:s5+$0x2870]  }
0x149: {  	v11 =	vmov s26;
	s26 =	smov.u32 s20;
	s20 =	smov.u32 s9;
	v3 =	vadd.f32 v7, v3;
	v7 =	vld [tilespmem:s5+$0xA870]  }
0x14a: {  	v9 =	vand.u32 $0x7FFFFFFF, v9;
	v4 =	vsub.f32 v6, v4;
	v6 =	vld [tilespmem:s5+$0x2C00]  }
0x14b: {  	v3 =	vadd.f32 v9, v3;
	v9 =	vld [tilespmem:s5+$0xAC00]  }
0x14c: {  	v4 =	vand.u32 $0x7FFFFFFF, v4;
	v5 =	vsub.f32 v8, v5;
	v8 =	vld [tilespmem:s5+$0x2C10]  }
0x14d: {  	v3 =	vadd.f32 v4, v3;
	v4 =	vld [tilespmem:s5+$0xAC10];
	v12, _, _ =	vpop (xrf2)  }
0x14e: {  	v5 =	vand.u32 $0x7FFFFFFF, v5;
	v7 =	vsub.f32 v10, v7;
	v10 =	vld [tilespmem:s5+$0x2C20];
	[tilespmem:v11+s13+$0x0] =	vst.idx.msk vm1, v12  }
0x14f: {  	v3 =	vadd.f32 v5, v3;
	v5 =	vld [tilespmem:s5+$0xAC20]  }
0x150: {  	v7 =	vand.u32 $0x7FFFFFFF, v7;
	v6 =	vsub.f32 v6, v9;
	v9 =	vld [tilespmem:s5+$0x2C30]  }
0x151: {  	v3 =	vadd.f32 v7, v3;
	v7 =	vld [tilespmem:s5+$0xAC30]  }
0x152: {  	v6 =	vand.u32 $0x7FFFFFFF, v6;
	v4 =	vsub.f32 v8, v4;
	v8 =	vld [tilespmem:s5+$0x2C40]  }
0x153: {  	v3 =	vadd.f32 v6, v3;
	v6 =	vld [tilespmem:s5+$0xAC40]  }
0x154: {  	v4 =	vand.u32 $0x7FFFFFFF, v4;
	v5 =	vsub.f32 v10, v5;
	v10 =	vld [tilespmem:s5+$0x2C50]  }
0x155: {  	v4 =	vadd.f32 v4, v3;
	v11 =	vld [tilespmem:s5+$0xAC50]  }
0x156: {  	v5 =	vand.u32 $0x7FFFFFFF, v5;
	v7 =	vsub.f32 v9, v7;
	v3 =	vld [tilespmem:s5+$0x2C60]  }
.Ltmp1:
0x157: {  	s7 =	sadd.s32 $0x80, s7;
	s8 =	sadd.s32 $0x100, s8;
	v9 =	vadd.f32 v5, v4;
	v4 =	vld [tilespmem:s5+$0xAC60];
	(pc) =	sbr.rel @p1 .LBB2_5-.Ltmp1, $4  }
0x158: {  	s10 =	sand.u32 $0x1800, s8;
	s6 =	sand.u32 $0x380, s7;
	v7 =	vand.u32 $0x7FFFFFFF, v7;
	v8 =	vsub.f32 v8, v6;
	v5 =	vld [tilespmem:s5+$0x2C70]  }
0x159: {  	v12 =	vadd.f32 v7, v9;
	v6 =	vld [tilespmem:s5+$0xAC70];
	s5 =	sor.u32 s6, s10  }
0x15a: {  	v9 =	vld [tilespmem:s5+$0x2800];
	v8 =	vand.u32 $0x7FFFFFFF, v8;
	v7 =	vsub.f32 v10, v11  }
0x15b: {  	s9 =	sadd.s32 $0x1, s9;
	v10 =	vld [tilespmem:s5+$0xA800];
	v8 =	vadd.f32 v8, v12  }
0x15c: {  	v11 =	vld [tilespmem:s5+$0x2810]  }
0x15d: {  	v12 =	vld [tilespmem:s5+$0xA810]  }
0x15e: {  	v13 =	vld [tilespmem:s5+$0x2820]  }
0x15f: {  	v14 =	vld [tilespmem:s5+$0xA820]  }
0x160: {  	v15 =	vld [tilespmem:s5+$0x2830]  }
0x161: {  	v16 =	vld [tilespmem:s5+$0xA830]  }
0x162: {  	v44 =	vld [tilespmem:s5+$0xA840];
	v9 =	vsub.f32 v9, v10;
	v10 =	vsub.f32 v11, v12  }
0x163: {  	v11 =	vld [tilespmem:s5+$0x2840]  }
0x164: {  	v45 =	vld [tilespmem:s5+$0x2850];
	v13 =	vsub.f32 v13, v14;
	v9 =	vand.u32 $0x7FFFFFFF, v9;
	v10 =	vand.u32 $0x7FFFFFFF, v10  }
0x165: {  	v9 =	vadd.f32 v10, v9;
	v10 =	vld [tilespmem:s5+$0xA850]  }
0x166: {  	v46 =	vld [tilespmem:s5+$0x2860];
	v15 =	vsub.f32 v15, v16;
	v13 =	vand.u32 $0x7FFFFFFF, v13  }
0x167: {  	v47 =	vld [tilespmem:s5+$0xA860];
	v9 =	vadd.f32 v13, v9  }
0x168: {  	v48 =	vld [tilespmem:s5+$0x2870];
	v15 =	vand.u32 $0x7FFFFFFF, v15;
	v11 =	vsub.f32 v11, v44  }
0x169: {  	v49 =	vld [tilespmem:s5+$0xA870];
	v9 =	vadd.f32 v15, v9  }
0x16a: {  	v50 =	vld [tilespmem:s5+$0x2C00];
	v11 =	vand.u32 $0x7FFFFFFF, v11;
	v10 =	vsub.f32 v45, v10  }
0x16b: {  	v9 =	vadd.f32 v11, v9;
	v11 =	vld [tilespmem:s5+$0xAC00]  }
0x16c: {  	v51 =	vld [tilespmem:s5+$0x2C10];
	v13 =	vsub.f32 v46, v47;
	v10 =	vand.u32 $0x7FFFFFFF, v10  }
0x16d: {  	v9 =	vadd.f32 v10, v9;
	v10 =	vld [tilespmem:s5+$0xAC10]  }
0x16e: {  	v52 =	vld [tilespmem:s5+$0x2C20];
	v12 =	vsub.f32 v48, v49;
	v13 =	vand.u32 $0x7FFFFFFF, v13  }
0x16f: {  	v53 =	vld [tilespmem:s5+$0xAC20];
	v9 =	vadd.f32 v13, v9  }
0x170: {  	v54 =	vld [tilespmem:s5+$0x2C30];
	v12 =	vand.u32 $0x7FFFFFFF, v12;
	v11 =	vsub.f32 v50, v11  }
0x171: {  	v55 =	vld [tilespmem:s5+$0xAC30];
	v9 =	vadd.f32 v12, v9  }
0x172: {  	v56 =	vld [tilespmem:s5+$0x2C40];
	v11 =	vand.u32 $0x7FFFFFFF, v11;
	v10 =	vsub.f32 v51, v10  }
0x173: {  	v9 =	vadd.f32 v11, v9;
	v11 =	vld [tilespmem:s5+$0xAC40]  }
0x174: {  	v57 =	vld [tilespmem:s5+$0x2C50];
	v13 =	vsub.f32 v52, v53;
	v10 =	vand.u32 $0x7FFFFFFF, v10  }
0x175: {  	v9 =	vadd.f32 v10, v9;
	v10 =	vld [tilespmem:s5+$0xAC50]  }
0x176: {  	v58 =	vld [tilespmem:s5+$0x2C60];
	v13 =	vand.u32 $0x7FFFFFFF, v13;
	v12 =	vsub.f32 v54, v55  }
0x177: {  	v59 =	vld [tilespmem:s5+$0xAC60];
	v9 =	vadd.f32 v13, v9  }
0x178: {  	v60 =	vld [tilespmem:s5+$0x2C70];
	v12 =	vand.u32 $0x7FFFFFFF, v12;
	v11 =	vsub.f32 v56, v11  }
0x179: {  	v61 =	vld [tilespmem:s5+$0xAC70];
	v9 =	vadd.f32 v12, v9  }
0x17a: {  	v10 =	vsub.f32 v57, v10;
	v11 =	vand.u32 $0x7FFFFFFF, v11  }
0x17b: {  	v3 =	vsub.f32 v3, v4;
	v7 =	vand.u32 $0x7FFFFFFF, v7;
	v4 =	vadd.f32 v11, v9  }
0x17c: {  	v7 =	vadd.f32 v7, v8;
	v9 =	vsub.f32 v58, v59;
	v8 =	vand.u32 $0x7FFFFFFF, v10  }
0x17d: {  	v3 =	vand.u32 $0x7FFFFFFF, v3;
	v5 =	vsub.f32 v5, v6;
	v4 =	vadd.f32 v8, v4  }
0x17e: {  	v3 =	vadd.f32 v3, v7;
	v7 =	vsub.f32 v60, v61;
	v6 =	vand.u32 $0x7FFFFFFF, v9  }
0x17f: {  	v5 =	vand.u32 $0x7FFFFFFF, v5;
	v4 =	vadd.f32 v6, v4  }
0x180: {  	v3 =	vadd.f32 v5, v3;
	v5 =	vand.u32 $0x7FFFFFFF, v7  }
0x181: {  	v4 =	vadd.f32 v5, v4  }
0x182: {  	(xrf2) =	vadd.scan.msk.f32 $0xffff, v3  }
0x183: {  	(xrf2) =	vadd.scan.msk.f32 $0xffff, v4;
	_ =	sdelay $0x4  }
0x184: {  	v3 =	vmov s26  }
0x185: {  	v4 =	vmov s20;
	_ =	sdelay $0x2  }
0x186: {  	v5, _, _ =	vpop (xrf2)  }
0x187: {  	[tilespmem:v3+s13+$0x0] =	vst.idx.msk vm1, v5;
	v3, _, _ =	vpop (xrf2)  }
0x188: {  	[tilespmem:v4+s13+$0x0] =	vst.idx.msk vm1, v3  }
0x189: {  	v3 =	vld [tilespmem:$0x10800];
	_ =	sdelay $0x4  }
0x18a: {  	v3 =	vsub.f32 $0.0e+00, v3;
	_ =	sdelay $0x1  }
0x18b: {  	v3 =	vmul.f32 $1.442695020e+00, v3;
	_ =	sdelay $0x1  }
0x18c: {  	(erf) = vpow2.f32 v3;
	_ =	sdelay $0x8  }
0x18d: {  	v3 =	vpop (erf)  }
0x18e: {  	[tilespmem:s25+$0x108A0] =	vst v3  }
0x18f: {  	v3 =	vld [tilespmem:$0x10810];
	_ =	sdelay $0x4  }
0x190: {  	v3 =	vsub.f32 $0.0e+00, v3;
	_ =	sdelay $0x1  }
0x191: {  	v3 =	vmul.f32 $1.442695020e+00, v3;
	_ =	sdelay $0x1  }
0x192: {  	(erf) = vpow2.f32 v3;
	_ =	sdelay $0x6  }
0x193: {  	s5 =	sadd.s32 @!p0 $0xA0, s23  }
0x194: {  	s5 =	sadd.s32 @!p0 s4, s5  }
0x195: {  	s5 =	sshll.u32 @!p0 s5, $0x5;
	v3 =	vpop (erf)  }
0x196: {  	s6 =	simm.s32 @!p0 $0x0;
	s7 =	simm.s32 @!p0 $0x2800;
	s5 =	sadd.s32 @!p0 s1, s5;
	[tilespmem:s25+$0x108B0] =	vst v3  }
0x197: {  	[tilespmem:s7], [sflag:$0x2] =	stream.linear.gather @!p0 [hbm4b:s5+s6], $0x2000, $0x38;
	[tilespmem:$0x11080] =	vst v63  }
0x198: {  	v3 =	vld @!p0 [tilespmem:s23+$0xA0];
	_ =	sdelay $0x4  }
0x199: {  	v4 =	vshll.u32 @!p0 v3, $0x1  }
0x19a: {  	v5 =	vlaneseq.u32 @!p0;
	v3 =	vand.u32 @!p0 $0x7, v3;
	v4 =	vand.u32 @!p0 $0xFFFFFFF0, v4  }
0x19b: {  	v6 =	vshrl.u32 @!p0 v5, $0x3;
	v3 =	vor.u32 @!p0 v3, v4;
	v4 =	vand.u32 @!p0 $0x7, v5  }
0x19c: {  	v6 =	vmul.u32 @!p0 $0x8, v6;
	v7 =	vperm.xlane @!p0 v3, v4  }
0x19d: {  	v5 =	vor.u32 @!p0 $0x8, v5  }
0x19e: {  	v3 =	vperm.xlane @!p0 v3, v5;
	v7 =	vadd.s32 @!p0 v6, v7;
	_ =	sdelay $0x1  }
0x19f: {  	v3 =	vadd.s32 @!p0 v6, v3;
	_ =	sdelay $0x1  }
0x1a0: {  	s5 =	simm.s32 @!p0 $0xA800  }
0x1a1: {  	[tilespmem:s5], [sflag:$0x6] =	stream.indirect_vreg.gather @!p0 [hbm4b:s1+s6], $0x80, v7, vm2, $0xb8;
	[tilespmem:$0x11080] =	vst v63  }
0x1a2: {  	s5 =	simm.s32 @!p0 $0xB000  }
0x1a3: {  	[tilespmem:s5], [sflag:$0x6] =	stream.indirect_vreg.gather @!p0 [hbm4b:s1+s6], $0x80, v3, vm2, $0xb8;
	[tilespmem:$0x11080] =	vst v63  }
0x1a4: {  	v3 =	vld @!p0 [tilespmem:s23+$0xB0];
	_ =	sdelay $0x4  }
0x1a5: {  	v7 =	vshll.u32 @!p0 v3, $0x1  }
0x1a6: {  	v3 =	vand.u32 @!p0 $0x7, v3;
	v7 =	vand.u32 @!p0 $0xFFFFFFF0, v7  }
0x1a7: {  	v3 =	vor.u32 @!p0 v3, v7  }
0x1a8: {  	v4 =	vperm.xlane @!p0 v3, v4;
	_ =	sdelay $0x1  }
0x1a9: {  	v3 =	vperm.xlane @!p0 v3, v5;
	v4 =	vadd.s32 @!p0 v6, v4;
	_ =	sdelay $0x1  }
0x1aa: {  	v3 =	vadd.s32 @!p0 v6, v3;
	_ =	sdelay $0x1  }
0x1ab: {  	s5 =	simm.s32 @!p0 $0xB800  }
0x1ac: {  	[tilespmem:s5], [sflag:$0x6] =	stream.indirect_vreg.gather @!p0 [hbm4b:s1+s6], $0x80, v4, vm2, $0xb8;
	[tilespmem:$0x11080] =	vst v63  }
0x1ad: {  	s5 =	simm.s32 @!p0 $0xC000  }
0x1ae: {  	[tilespmem:s5], [sflag:$0x6] =	stream.indirect_vreg.gather @!p0 [hbm4b:s1+s6], $0x80, v3, vm2, $0xb8;
	[tilespmem:$0x11080] =	vst v63  }
0x1af: {  	_ =	swait.ge [sflag:s16], $0x2000  }
0x1b0: {  	[sflag:s16] =	ssyncset.done $0x0  }
0x1b1: {  	[sflag:s16] =	ssyncadd.s32 $0xFFFFE000  }
0x1b2: {  	s26 =	simm.s32 $0x0;
	_ =	swait.ge [sflag:s17], $0x2000  }
0x1b3: {  	s8 =	sand.u32 $0x1800, s26;
	s9 =	sand.u32 $0x380, s26;
	[sflag:s17] =	ssyncset.done $0x0  }
0x1b4: {  	s9 =	sor.u32 s9, s8;
	[sflag:s17] =	ssyncadd.s32 $0xFFFFE000  }
0x1b5: {  	v3 =	vld [tilespmem:s9+$0x4800]  }
0x1b6: {  	v4 =	vld [tilespmem:s9+$0xC800]  }
0x1b7: {  	v5 =	vld [tilespmem:s9+$0x4810]  }
0x1b8: {  	v6 =	vld [tilespmem:s9+$0xC810]  }
0x1b9: {  	v7 =	vld [tilespmem:s9+$0x4820]  }
0x1ba: {  	v8 =	vld [tilespmem:s9+$0xC820]  }
0x1bb: {  	v9 =	vld [tilespmem:s9+$0x4830]  }
0x1bc: {  	v10 =	vld [tilespmem:s9+$0xC830]  }
0x1bd: {  	v3 =	vsub.f32 v3, v4;
	v4 =	vsub.f32 v5, v6;
	v5 =	vld [tilespmem:s9+$0x4840]  }
0x1be: {  	v6 =	vld [tilespmem:s9+$0xC840]  }
0x1bf: {  	v7 =	vsub.f32 v7, v8;
	v8 =	vld [tilespmem:s9+$0x4850];
	v3 =	vand.u32 $0x7FFFFFFF, v3;
	v4 =	vand.u32 $0x7FFFFFFF, v4  }
0x1c0: {  	v3 =	vadd.f32 v4, v3;
	v4 =	vld [tilespmem:s9+$0xC850]  }
0x1c1: {  	v9 =	vsub.f32 v9, v10;
	v10 =	vld [tilespmem:s9+$0x4860];
	v7 =	vand.u32 $0x7FFFFFFF, v7  }
0x1c2: {  	v3 =	vadd.f32 v7, v3;
	v7 =	vld [tilespmem:s9+$0xC860]  }
0x1c3: {  	v9 =	vand.u32 $0x7FFFFFFF, v9;
	v5 =	vsub.f32 v5, v6;
	v6 =	vld [tilespmem:s9+$0x4870]  }
0x1c4: {  	v3 =	vadd.f32 v9, v3;
	v9 =	vld [tilespmem:s9+$0xC870]  }
0x1c5: {  	v5 =	vand.u32 $0x7FFFFFFF, v5;
	v4 =	vsub.f32 v8, v4;
	v8 =	vld [tilespmem:s9+$0x4C00]  }
0x1c6: {  	v3 =	vadd.f32 v5, v3;
	v5 =	vld [tilespmem:s9+$0xCC00]  }
0x1c7: {  	v4 =	vand.u32 $0x7FFFFFFF, v4;
	v7 =	vsub.f32 v10, v7;
	v10 =	vld [tilespmem:s9+$0x4C10]  }
0x1c8: {  	v3 =	vadd.f32 v4, v3;
	v4 =	vld [tilespmem:s9+$0xCC10]  }
0x1c9: {  	v7 =	vand.u32 $0x7FFFFFFF, v7;
	v6 =	vsub.f32 v6, v9;
	v9 =	vld [tilespmem:s9+$0x4C20]  }
0x1ca: {  	v3 =	vadd.f32 v7, v3;
	v7 =	vld [tilespmem:s9+$0xCC20]  }
0x1cb: {  	v6 =	vand.u32 $0x7FFFFFFF, v6;
	v5 =	vsub.f32 v8, v5;
	v8 =	vld [tilespmem:s9+$0x4C30]  }
0x1cc: {  	v3 =	vadd.f32 v6, v3;
	v6 =	vld [tilespmem:s9+$0xCC30]  }
0x1cd: {  	v5 =	vand.u32 $0x7FFFFFFF, v5;
	v4 =	vsub.f32 v10, v4;
	v10 =	vld [tilespmem:s9+$0x4C40]  }
0x1ce: {  	v3 =	vadd.f32 v5, v3;
	v5 =	vld [tilespmem:s9+$0xCC40]  }
0x1cf: {  	v11 =	vld [tilespmem:s9+$0x4C50];
	v4 =	vand.u32 $0x7FFFFFFF, v4;
	v7 =	vsub.f32 v9, v7  }
0x1d0: {  	v62 =	vld [tilespmem:s9+$0xCC50];
	v4 =	vadd.f32 v4, v3  }
0x1d1: {  	v3 =	vld [tilespmem:s9+$0x4C60];
	v7 =	vand.u32 $0x7FFFFFFF, v7;
	v6 =	vsub.f32 v8, v6  }
0x1d2: {  	s8 =	simm.s32 $0x100;
	s7 =	simm.s32 $0x80;
	v7 =	vadd.f32 v7, v4;
	v4 =	vld [tilespmem:s9+$0xCC60]  }
0x1d3: {  	s10 =	sand.u32 $0x1800, s8;
	s20 =	sand.u32 $0x380, s7;
	v6 =	vand.u32 $0x7FFFFFFF, v6;
	v8 =	vsub.f32 v10, v5;
	v5 =	vld [tilespmem:s9+$0x4C70]  }
0x1d4: {  	s5 =	sor.u32 s20, s10;
	v63 =	vadd.f32 v6, v7;
	v6 =	vld [tilespmem:s9+$0xCC70]  }
0x1d5: {  	v9 =	vld [tilespmem:s5+$0x4800];
	v7 =	vsub.f32 v11, v62;
	v8 =	vand.u32 $0x7FFFFFFF, v8  }
0x1d6: {  	s20 =	simm.s32 $0x1;
	v10 =	vld [tilespmem:s5+$0xC800];
	s9 =	simm.s32 $0x2;
	v8 =	vadd.f32 v8, v63  }
.LBB2_7:
0x1d7: {  	p1 =	sne.s32 s9, $0x1F;
	v11 =	vld [tilespmem:s5+$0x4810];
	v7 =	vand.u32 $0x7FFFFFFF, v7;
	v3 =	vsub.f32 v3, v4  }
0x1d8: {  	v4 =	vld [tilespmem:s5+$0xC810];
	v7 =	vadd.f32 v7, v8  }
0x1d9: {  	v8 =	vld [tilespmem:s5+$0x4820];
	v3 =	vand.u32 $0x7FFFFFFF, v3;
	v5 =	vsub.f32 v5, v6  }
0x1da: {  	v6 =	vld [tilespmem:s5+$0xC820];
	v3 =	vadd.f32 v3, v7  }
0x1db: {  	v7 =	vld [tilespmem:s5+$0x4830];
	v5 =	vand.u32 $0x7FFFFFFF, v5  }
0x1dc: {  	v12 =	vld [tilespmem:s5+$0xC830];
	v3 =	vadd.f32 v5, v3  }
0x1dd: {  	v5 =	vsub.f32 v9, v10;
	v4 =	vsub.f32 v11, v4;
	v9 =	vld [tilespmem:s5+$0x4840]  }
0x1de: {  	v10 =	vld [tilespmem:s5+$0xC840];
	(xrf2) =	vadd.scan.msk.f32 $0xffff, v3  }
0x1df: {  	v3 =	vand.u32 $0x7FFFFFFF, v5;
	v4 =	vand.u32 $0x7FFFFFFF, v4;
	v5 =	vsub.f32 v8, v6;
	v6 =	vld [tilespmem:s5+$0x4850]  }
0x1e0: {  	v3 =	vadd.f32 v4, v3;
	v4 =	vld [tilespmem:s5+$0xC850]  }
0x1e1: {  	v5 =	vand.u32 $0x7FFFFFFF, v5;
	v7 =	vsub.f32 v7, v12;
	v8 =	vld [tilespmem:s5+$0x4860]  }
0x1e2: {  	v3 =	vadd.f32 v5, v3;
	v5 =	vld [tilespmem:s5+$0xC860]  }
0x1e3: {  	v7 =	vand.u32 $0x7FFFFFFF, v7;
	v9 =	vsub.f32 v9, v10;
	v10 =	vld [tilespmem:s5+$0x4870]  }
0x1e4: {  	v11 =	vmov s26;
	s26 =	smov.u32 s20;
	s20 =	smov.u32 s9;
	v3 =	vadd.f32 v7, v3;
	v7 =	vld [tilespmem:s5+$0xC870]  }
0x1e5: {  	v9 =	vand.u32 $0x7FFFFFFF, v9;
	v4 =	vsub.f32 v6, v4;
	v6 =	vld [tilespmem:s5+$0x4C00]  }
0x1e6: {  	v3 =	vadd.f32 v9, v3;
	v9 =	vld [tilespmem:s5+$0xCC00]  }
0x1e7: {  	v4 =	vand.u32 $0x7FFFFFFF, v4;
	v5 =	vsub.f32 v8, v5;
	v8 =	vld [tilespmem:s5+$0x4C10]  }
0x1e8: {  	v3 =	vadd.f32 v4, v3;
	v4 =	vld [tilespmem:s5+$0xCC10];
	v12, _, _ =	vpop (xrf2)  }
0x1e9: {  	v5 =	vand.u32 $0x7FFFFFFF, v5;
	v7 =	vsub.f32 v10, v7;
	v10 =	vld [tilespmem:s5+$0x4C20];
	[tilespmem:v11+s13+$0x0] =	vst.idx.msk vm1, v12  }
0x1ea: {  	v3 =	vadd.f32 v5, v3;
	v5 =	vld [tilespmem:s5+$0xCC20]  }
0x1eb: {  	v7 =	vand.u32 $0x7FFFFFFF, v7;
	v6 =	vsub.f32 v6, v9;
	v9 =	vld [tilespmem:s5+$0x4C30]  }
0x1ec: {  	v3 =	vadd.f32 v7, v3;
	v7 =	vld [tilespmem:s5+$0xCC30]  }
0x1ed: {  	v6 =	vand.u32 $0x7FFFFFFF, v6;
	v4 =	vsub.f32 v8, v4;
	v8 =	vld [tilespmem:s5+$0x4C40]  }
0x1ee: {  	v3 =	vadd.f32 v6, v3;
	v6 =	vld [tilespmem:s5+$0xCC40]  }
0x1ef: {  	v4 =	vand.u32 $0x7FFFFFFF, v4;
	v5 =	vsub.f32 v10, v5;
	v10 =	vld [tilespmem:s5+$0x4C50]  }
0x1f0: {  	v4 =	vadd.f32 v4, v3;
	v11 =	vld [tilespmem:s5+$0xCC50]  }
0x1f1: {  	v5 =	vand.u32 $0x7FFFFFFF, v5;
	v7 =	vsub.f32 v9, v7;
	v3 =	vld [tilespmem:s5+$0x4C60]  }
.Ltmp2:
0x1f2: {  	s7 =	sadd.s32 $0x80, s7;
	s8 =	sadd.s32 $0x100, s8;
	v9 =	vadd.f32 v5, v4;
	v4 =	vld [tilespmem:s5+$0xCC60];
	(pc) =	sbr.rel @p1 .LBB2_7-.Ltmp2, $4  }
0x1f3: {  	s6 =	sand.u32 $0x1800, s8;
	s10 =	sand.u32 $0x380, s7;
	v7 =	vand.u32 $0x7FFFFFFF, v7;
	v8 =	vsub.f32 v8, v6;
	v5 =	vld [tilespmem:s5+$0x4C70]  }
0x1f4: {  	v12 =	vadd.f32 v7, v9;
	v6 =	vld [tilespmem:s5+$0xCC70];
	s5 =	sor.u32 s10, s6  }
0x1f5: {  	v9 =	vld [tilespmem:s5+$0x4800];
	v8 =	vand.u32 $0x7FFFFFFF, v8;
	v7 =	vsub.f32 v10, v11  }
0x1f6: {  	s9 =	sadd.s32 $0x1, s9;
	v10 =	vld [tilespmem:s5+$0xC800];
	v8 =	vadd.f32 v8, v12  }
0x1f7: {  	v11 =	vld [tilespmem:s5+$0x4810]  }
0x1f8: {  	v12 =	vld [tilespmem:s5+$0xC810]  }
0x1f9: {  	v13 =	vld [tilespmem:s5+$0x4820]  }
0x1fa: {  	v14 =	vld [tilespmem:s5+$0xC820]  }
0x1fb: {  	v15 =	vld [tilespmem:s5+$0x4830]  }
0x1fc: {  	v16 =	vld [tilespmem:s5+$0xC830]  }
0x1fd: {  	v44 =	vld [tilespmem:s5+$0xC840];
	v9 =	vsub.f32 v9, v10;
	v10 =	vsub.f32 v11, v12  }
0x1fe: {  	v11 =	vld [tilespmem:s5+$0x4840]  }
0x1ff: {  	v45 =	vld [tilespmem:s5+$0x4850];
	v13 =	vsub.f32 v13, v14;
	v9 =	vand.u32 $0x7FFFFFFF, v9;
	v10 =	vand.u32 $0x7FFFFFFF, v10  }
0x200: {  	v9 =	vadd.f32 v10, v9;
	v10 =	vld [tilespmem:s5+$0xC850]  }
0x201: {  	v46 =	vld [tilespmem:s5+$0x4860];
	v15 =	vsub.f32 v15, v16;
	v13 =	vand.u32 $0x7FFFFFFF, v13  }
0x202: {  	v47 =	vld [tilespmem:s5+$0xC860];
	v9 =	vadd.f32 v13, v9  }
0x203: {  	v48 =	vld [tilespmem:s5+$0x4870];
	v15 =	vand.u32 $0x7FFFFFFF, v15;
	v11 =	vsub.f32 v11, v44  }
0x204: {  	v49 =	vld [tilespmem:s5+$0xC870];
	v9 =	vadd.f32 v15, v9  }
0x205: {  	v50 =	vld [tilespmem:s5+$0x4C00];
	v11 =	vand.u32 $0x7FFFFFFF, v11;
	v10 =	vsub.f32 v45, v10  }
0x206: {  	v9 =	vadd.f32 v11, v9;
	v11 =	vld [tilespmem:s5+$0xCC00]  }
0x207: {  	v51 =	vld [tilespmem:s5+$0x4C10];
	v13 =	vsub.f32 v46, v47;
	v10 =	vand.u32 $0x7FFFFFFF, v10  }
0x208: {  	v9 =	vadd.f32 v10, v9;
	v10 =	vld [tilespmem:s5+$0xCC10]  }
0x209: {  	v52 =	vld [tilespmem:s5+$0x4C20];
	v12 =	vsub.f32 v48, v49;
	v13 =	vand.u32 $0x7FFFFFFF, v13  }
0x20a: {  	v53 =	vld [tilespmem:s5+$0xCC20];
	v9 =	vadd.f32 v13, v9  }
0x20b: {  	v54 =	vld [tilespmem:s5+$0x4C30];
	v12 =	vand.u32 $0x7FFFFFFF, v12;
	v11 =	vsub.f32 v50, v11  }
0x20c: {  	v55 =	vld [tilespmem:s5+$0xCC30];
	v9 =	vadd.f32 v12, v9  }
0x20d: {  	v56 =	vld [tilespmem:s5+$0x4C40];
	v11 =	vand.u32 $0x7FFFFFFF, v11;
	v10 =	vsub.f32 v51, v10  }
0x20e: {  	v9 =	vadd.f32 v11, v9;
	v11 =	vld [tilespmem:s5+$0xCC40]  }
0x20f: {  	v57 =	vld [tilespmem:s5+$0x4C50];
	v13 =	vsub.f32 v52, v53;
	v10 =	vand.u32 $0x7FFFFFFF, v10  }
0x210: {  	v9 =	vadd.f32 v10, v9;
	v10 =	vld [tilespmem:s5+$0xCC50]  }
0x211: {  	v58 =	vld [tilespmem:s5+$0x4C60];
	v13 =	vand.u32 $0x7FFFFFFF, v13;
	v12 =	vsub.f32 v54, v55  }
0x212: {  	v59 =	vld [tilespmem:s5+$0xCC60];
	v9 =	vadd.f32 v13, v9  }
0x213: {  	v60 =	vld [tilespmem:s5+$0x4C70];
	v12 =	vand.u32 $0x7FFFFFFF, v12;
	v11 =	vsub.f32 v56, v11  }
0x214: {  	v61 =	vld [tilespmem:s5+$0xCC70];
	v9 =	vadd.f32 v12, v9  }
0x215: {  	v10 =	vsub.f32 v57, v10;
	v11 =	vand.u32 $0x7FFFFFFF, v11  }
0x216: {  	v3 =	vsub.f32 v3, v4;
	v7 =	vand.u32 $0x7FFFFFFF, v7;
	v4 =	vadd.f32 v11, v9  }
0x217: {  	v7 =	vadd.f32 v7, v8;
	v9 =	vsub.f32 v58, v59;
	v8 =	vand.u32 $0x7FFFFFFF, v10  }
0x218: {  	v3 =	vand.u32 $0x7FFFFFFF, v3;
	v5 =	vsub.f32 v5, v6;
	v4 =	vadd.f32 v8, v4  }
0x219: {  	v3 =	vadd.f32 v3, v7;
	v7 =	vsub.f32 v60, v61;
	v6 =	vand.u32 $0x7FFFFFFF, v9  }
0x21a: {  	v5 =	vand.u32 $0x7FFFFFFF, v5;
	v4 =	vadd.f32 v6, v4  }
0x21b: {  	v3 =	vadd.f32 v5, v3;
	v5 =	vand.u32 $0x7FFFFFFF, v7  }
0x21c: {  	v4 =	vadd.f32 v5, v4  }
0x21d: {  	(xrf2) =	vadd.scan.msk.f32 $0xffff, v3  }
0x21e: {  	(xrf2) =	vadd.scan.msk.f32 $0xffff, v4;
	_ =	sdelay $0x4  }
0x21f: {  	v3 =	vmov s26  }
0x220: {  	v4 =	vmov s20;
	_ =	sdelay $0x2  }
0x221: {  	v5, _, _ =	vpop (xrf2)  }
0x222: {  	[tilespmem:v3+s13+$0x0] =	vst.idx.msk vm1, v5;
	v3, _, _ =	vpop (xrf2)  }
0x223: {  	[tilespmem:v4+s13+$0x0] =	vst.idx.msk vm1, v3  }
0x224: {  	v3 =	vld [tilespmem:$0x10800];
	_ =	sdelay $0x4  }
0x225: {  	v3 =	vsub.f32 $0.0e+00, v3;
	_ =	sdelay $0x1  }
0x226: {  	v3 =	vmul.f32 $1.442695020e+00, v3;
	_ =	sdelay $0x1  }
0x227: {  	(erf) = vpow2.f32 v3;
	_ =	sdelay $0x8  }
0x228: {  	v3 =	vpop (erf)  }
0x229: {  	[tilespmem:s25+$0x108C0] =	vst v3  }
0x22a: {  	v3 =	vld [tilespmem:$0x10810];
	_ =	sdelay $0x4  }
0x22b: {  	v3 =	vsub.f32 $0.0e+00, v3;
	_ =	sdelay $0x1  }
0x22c: {  	v3 =	vmul.f32 $1.442695020e+00, v3;
	_ =	sdelay $0x1  }
0x22d: {  	(erf) = vpow2.f32 v3;
	_ =	sdelay $0x6  }
0x22e: {  	s5 =	sadd.s32 @!p0 $0xC0, s23  }
0x22f: {  	s5 =	sadd.s32 @!p0 s4, s5  }
0x230: {  	s5 =	sshll.u32 @!p0 s5, $0x5;
	v3 =	vpop (erf)  }
0x231: {  	s6 =	simm.s32 @!p0 $0x0;
	s7 =	simm.s32 @!p0 $0x4800;
	s5 =	sadd.s32 @!p0 s1, s5;
	[tilespmem:s25+$0x108D0] =	vst v3  }
0x232: {  	[tilespmem:s7], [sflag:$0x3] =	stream.linear.gather @!p0 [hbm4b:s5+s6], $0x2000, $0x38;
	[tilespmem:$0x11080] =	vst v63  }
0x233: {  	v3 =	vld @!p0 [tilespmem:s23+$0xC0];
	_ =	sdelay $0x4  }
0x234: {  	v4 =	vshll.u32 @!p0 v3, $0x1  }
0x235: {  	v5 =	vlaneseq.u32 @!p0;
	v3 =	vand.u32 @!p0 $0x7, v3;
	v4 =	vand.u32 @!p0 $0xFFFFFFF0, v4  }
0x236: {  	v6 =	vshrl.u32 @!p0 v5, $0x3;
	v3 =	vor.u32 @!p0 v3, v4;
	v4 =	vand.u32 @!p0 $0x7, v5  }
0x237: {  	v6 =	vmul.u32 @!p0 $0x8, v6;
	v7 =	vperm.xlane @!p0 v3, v4  }
0x238: {  	v5 =	vor.u32 @!p0 $0x8, v5  }
0x239: {  	v3 =	vperm.xlane @!p0 v3, v5;
	v7 =	vadd.s32 @!p0 v6, v7;
	_ =	sdelay $0x1  }
0x23a: {  	v3 =	vadd.s32 @!p0 v6, v3;
	_ =	sdelay $0x1  }
0x23b: {  	s5 =	simm.s32 @!p0 $0xC800  }
0x23c: {  	[tilespmem:s5], [sflag:$0x7] =	stream.indirect_vreg.gather @!p0 [hbm4b:s1+s6], $0x80, v7, vm2, $0xb8;
	[tilespmem:$0x11080] =	vst v63  }
0x23d: {  	s5 =	simm.s32 @!p0 $0xD000  }
0x23e: {  	[tilespmem:s5], [sflag:$0x7] =	stream.indirect_vreg.gather @!p0 [hbm4b:s1+s6], $0x80, v3, vm2, $0xb8;
	[tilespmem:$0x11080] =	vst v63  }
0x23f: {  	v3 =	vld @!p0 [tilespmem:s23+$0xD0];
	_ =	sdelay $0x4  }
0x240: {  	v7 =	vshll.u32 @!p0 v3, $0x1  }
0x241: {  	v3 =	vand.u32 @!p0 $0x7, v3;
	v7 =	vand.u32 @!p0 $0xFFFFFFF0, v7  }
0x242: {  	v3 =	vor.u32 @!p0 v3, v7  }
0x243: {  	v4 =	vperm.xlane @!p0 v3, v4;
	_ =	sdelay $0x1  }
0x244: {  	v3 =	vperm.xlane @!p0 v3, v5;
	v4 =	vadd.s32 @!p0 v6, v4;
	_ =	sdelay $0x1  }
0x245: {  	v3 =	vadd.s32 @!p0 v6, v3;
	_ =	sdelay $0x1  }
0x246: {  	s5 =	simm.s32 @!p0 $0xD800  }
0x247: {  	[tilespmem:s5], [sflag:$0x7] =	stream.indirect_vreg.gather @!p0 [hbm4b:s1+s6], $0x80, v4, vm2, $0xb8;
	[tilespmem:$0x11080] =	vst v63  }
0x248: {  	s5 =	simm.s32 @!p0 $0xE000  }
0x249: {  	[tilespmem:s5], [sflag:$0x7] =	stream.indirect_vreg.gather @!p0 [hbm4b:s1+s6], $0x80, v3, vm2, $0xb8;
	[tilespmem:$0x11080] =	vst v63  }
0x24a: {  	_ =	swait.ge [sflag:s18], $0x2000  }
0x24b: {  	[sflag:s18] =	ssyncset.done $0x0  }
0x24c: {  	[sflag:s18] =	ssyncadd.s32 $0xFFFFE000  }
0x24d: {  	s25 =	simm.s32 $0x0;
	_ =	swait.ge [sflag:s19], $0x2000  }
0x24e: {  	s9 =	sand.u32 $0x1800, s25;
	s10 =	sand.u32 $0x380, s25;
	[sflag:s19] =	ssyncset.done $0x0  }
0x24f: {  	s9 =	sor.u32 s10, s9;
	[sflag:s19] =	ssyncadd.s32 $0xFFFFE000  }
0x250: {  	v3 =	vld [tilespmem:s9+$0x6800]  }
0x251: {  	v4 =	vld [tilespmem:s9+$0xE800]  }
0x252: {  	v5 =	vld [tilespmem:s9+$0x6810]  }
0x253: {  	v6 =	vld [tilespmem:s9+$0xE810]  }
0x254: {  	v7 =	vld [tilespmem:s9+$0x6820]  }
0x255: {  	v8 =	vld [tilespmem:s9+$0xE820]  }
0x256: {  	v9 =	vld [tilespmem:s9+$0x6830]  }
0x257: {  	v10 =	vld [tilespmem:s9+$0xE830]  }
0x258: {  	v3 =	vsub.f32 v3, v4;
	v4 =	vsub.f32 v5, v6;
	v5 =	vld [tilespmem:s9+$0x6840]  }
0x259: {  	v6 =	vld [tilespmem:s9+$0xE840]  }
0x25a: {  	v7 =	vsub.f32 v7, v8;
	v8 =	vld [tilespmem:s9+$0x6850];
	v3 =	vand.u32 $0x7FFFFFFF, v3;
	v4 =	vand.u32 $0x7FFFFFFF, v4  }
0x25b: {  	v3 =	vadd.f32 v4, v3;
	v4 =	vld [tilespmem:s9+$0xE850]  }
0x25c: {  	v9 =	vsub.f32 v9, v10;
	v10 =	vld [tilespmem:s9+$0x6860];
	v7 =	vand.u32 $0x7FFFFFFF, v7  }
0x25d: {  	v3 =	vadd.f32 v7, v3;
	v7 =	vld [tilespmem:s9+$0xE860]  }
0x25e: {  	v9 =	vand.u32 $0x7FFFFFFF, v9;
	v5 =	vsub.f32 v5, v6;
	v6 =	vld [tilespmem:s9+$0x6870]  }
0x25f: {  	v3 =	vadd.f32 v9, v3;
	v9 =	vld [tilespmem:s9+$0xE870]  }
0x260: {  	v5 =	vand.u32 $0x7FFFFFFF, v5;
	v4 =	vsub.f32 v8, v4;
	v8 =	vld [tilespmem:s9+$0x6C00]  }
0x261: {  	v3 =	vadd.f32 v5, v3;
	v5 =	vld [tilespmem:s9+$0xEC00]  }
0x262: {  	v4 =	vand.u32 $0x7FFFFFFF, v4;
	v7 =	vsub.f32 v10, v7;
	v10 =	vld [tilespmem:s9+$0x6C10]  }
0x263: {  	v3 =	vadd.f32 v4, v3;
	v4 =	vld [tilespmem:s9+$0xEC10]  }
0x264: {  	v7 =	vand.u32 $0x7FFFFFFF, v7;
	v6 =	vsub.f32 v6, v9;
	v9 =	vld [tilespmem:s9+$0x6C20]  }
0x265: {  	v3 =	vadd.f32 v7, v3;
	v7 =	vld [tilespmem:s9+$0xEC20]  }
0x266: {  	v6 =	vand.u32 $0x7FFFFFFF, v6;
	v5 =	vsub.f32 v8, v5;
	v8 =	vld [tilespmem:s9+$0x6C30]  }
0x267: {  	v3 =	vadd.f32 v6, v3;
	v6 =	vld [tilespmem:s9+$0xEC30]  }
0x268: {  	v5 =	vand.u32 $0x7FFFFFFF, v5;
	v4 =	vsub.f32 v10, v4;
	v10 =	vld [tilespmem:s9+$0x6C40]  }
0x269: {  	v3 =	vadd.f32 v5, v3;
	v5 =	vld [tilespmem:s9+$0xEC40]  }
0x26a: {  	v11 =	vld [tilespmem:s9+$0x6C50];
	v4 =	vand.u32 $0x7FFFFFFF, v4;
	v7 =	vsub.f32 v9, v7  }
0x26b: {  	v62 =	vld [tilespmem:s9+$0xEC50];
	v4 =	vadd.f32 v4, v3  }
0x26c: {  	v3 =	vld [tilespmem:s9+$0x6C60];
	v7 =	vand.u32 $0x7FFFFFFF, v7;
	v6 =	vsub.f32 v8, v6  }
0x26d: {  	s8 =	simm.s32 $0x100;
	s7 =	simm.s32 $0x80;
	v7 =	vadd.f32 v7, v4;
	v4 =	vld [tilespmem:s9+$0xEC60]  }
0x26e: {  	s20 =	sand.u32 $0x1800, s8;
	s26 =	sand.u32 $0x380, s7;
	v6 =	vand.u32 $0x7FFFFFFF, v6;
	v8 =	vsub.f32 v10, v5;
	v5 =	vld [tilespmem:s9+$0x6C70]  }
0x26f: {  	s5 =	sor.u32 s26, s20;
	v63 =	vadd.f32 v6, v7;
	v6 =	vld [tilespmem:s9+$0xEC70]  }
0x270: {  	v9 =	vld [tilespmem:s5+$0x6800];
	v7 =	vsub.f32 v11, v62;
	v8 =	vand.u32 $0x7FFFFFFF, v8  }
0x271: {  	s20 =	simm.s32 $0x1;
	v10 =	vld [tilespmem:s5+$0xE800];
	s9 =	simm.s32 $0x2;
	v8 =	vadd.f32 v8, v63  }
.LBB2_9:
0x272: {  	p0 =	sne.s32 s9, $0x1F;
	v11 =	vld [tilespmem:s5+$0x6810];
	v7 =	vand.u32 $0x7FFFFFFF, v7;
	v3 =	vsub.f32 v3, v4  }
0x273: {  	v4 =	vld [tilespmem:s5+$0xE810];
	v7 =	vadd.f32 v7, v8  }
0x274: {  	v8 =	vld [tilespmem:s5+$0x6820];
	v3 =	vand.u32 $0x7FFFFFFF, v3;
	v5 =	vsub.f32 v5, v6  }
0x275: {  	v6 =	vld [tilespmem:s5+$0xE820];
	v3 =	vadd.f32 v3, v7  }
0x276: {  	v7 =	vld [tilespmem:s5+$0x6830];
	v5 =	vand.u32 $0x7FFFFFFF, v5  }
0x277: {  	v12 =	vld [tilespmem:s5+$0xE830];
	v3 =	vadd.f32 v5, v3  }
0x278: {  	v5 =	vsub.f32 v9, v10;
	v4 =	vsub.f32 v11, v4;
	v9 =	vld [tilespmem:s5+$0x6840]  }
0x279: {  	v10 =	vld [tilespmem:s5+$0xE840];
	(xrf2) =	vadd.scan.msk.f32 $0xffff, v3  }
0x27a: {  	v3 =	vand.u32 $0x7FFFFFFF, v5;
	v4 =	vand.u32 $0x7FFFFFFF, v4;
	v5 =	vsub.f32 v8, v6;
	v6 =	vld [tilespmem:s5+$0x6850]  }
0x27b: {  	v3 =	vadd.f32 v4, v3;
	v4 =	vld [tilespmem:s5+$0xE850]  }
0x27c: {  	v5 =	vand.u32 $0x7FFFFFFF, v5;
	v7 =	vsub.f32 v7, v12;
	v8 =	vld [tilespmem:s5+$0x6860]  }
0x27d: {  	v3 =	vadd.f32 v5, v3;
	v5 =	vld [tilespmem:s5+$0xE860]  }
0x27e: {  	v7 =	vand.u32 $0x7FFFFFFF, v7;
	v9 =	vsub.f32 v9, v10;
	v10 =	vld [tilespmem:s5+$0x6870]  }
0x27f: {  	v11 =	vmov s25;
	s25 =	smov.u32 s20;
	s20 =	smov.u32 s9;
	v3 =	vadd.f32 v7, v3;
	v7 =	vld [tilespmem:s5+$0xE870]  }
0x280: {  	v9 =	vand.u32 $0x7FFFFFFF, v9;
	v4 =	vsub.f32 v6, v4;
	v6 =	vld [tilespmem:s5+$0x6C00]  }
0x281: {  	v3 =	vadd.f32 v9, v3;
	v9 =	vld [tilespmem:s5+$0xEC00]  }
0x282: {  	v4 =	vand.u32 $0x7FFFFFFF, v4;
	v5 =	vsub.f32 v8, v5;
	v8 =	vld [tilespmem:s5+$0x6C10]  }
0x283: {  	v3 =	vadd.f32 v4, v3;
	v4 =	vld [tilespmem:s5+$0xEC10];
	v12, _, _ =	vpop (xrf2)  }
0x284: {  	v5 =	vand.u32 $0x7FFFFFFF, v5;
	v7 =	vsub.f32 v10, v7;
	v10 =	vld [tilespmem:s5+$0x6C20];
	[tilespmem:v11+s13+$0x0] =	vst.idx.msk vm1, v12  }
0x285: {  	v3 =	vadd.f32 v5, v3;
	v5 =	vld [tilespmem:s5+$0xEC20]  }
0x286: {  	v7 =	vand.u32 $0x7FFFFFFF, v7;
	v6 =	vsub.f32 v6, v9;
	v9 =	vld [tilespmem:s5+$0x6C30]  }
0x287: {  	v3 =	vadd.f32 v7, v3;
	v7 =	vld [tilespmem:s5+$0xEC30]  }
0x288: {  	v6 =	vand.u32 $0x7FFFFFFF, v6;
	v4 =	vsub.f32 v8, v4;
	v8 =	vld [tilespmem:s5+$0x6C40]  }
0x289: {  	v3 =	vadd.f32 v6, v3;
	v6 =	vld [tilespmem:s5+$0xEC40]  }
0x28a: {  	v4 =	vand.u32 $0x7FFFFFFF, v4;
	v5 =	vsub.f32 v10, v5;
	v10 =	vld [tilespmem:s5+$0x6C50]  }
0x28b: {  	v4 =	vadd.f32 v4, v3;
	v11 =	vld [tilespmem:s5+$0xEC50]  }
0x28c: {  	v5 =	vand.u32 $0x7FFFFFFF, v5;
	v7 =	vsub.f32 v9, v7;
	v3 =	vld [tilespmem:s5+$0x6C60]  }
.Ltmp3:
0x28d: {  	s7 =	sadd.s32 $0x80, s7;
	s8 =	sadd.s32 $0x100, s8;
	v9 =	vadd.f32 v5, v4;
	v4 =	vld [tilespmem:s5+$0xEC60];
	(pc) =	sbr.rel @p0 .LBB2_9-.Ltmp3, $4  }
0x28e: {  	s6 =	sand.u32 $0x1800, s8;
	s10 =	sand.u32 $0x380, s7;
	v7 =	vand.u32 $0x7FFFFFFF, v7;
	v8 =	vsub.f32 v8, v6;
	v5 =	vld [tilespmem:s5+$0x6C70]  }
0x28f: {  	v12 =	vadd.f32 v7, v9;
	v6 =	vld [tilespmem:s5+$0xEC70];
	s5 =	sor.u32 s10, s6  }
0x290: {  	v9 =	vld [tilespmem:s5+$0x6800];
	v8 =	vand.u32 $0x7FFFFFFF, v8;
	v7 =	vsub.f32 v10, v11  }
0x291: {  	s9 =	sadd.s32 $0x1, s9;
	v10 =	vld [tilespmem:s5+$0xE800];
	v8 =	vadd.f32 v8, v12  }
0x292: {  	v11 =	vld [tilespmem:s5+$0x6810]  }
0x293: {  	v12 =	vld [tilespmem:s5+$0xE810]  }
0x294: {  	v13 =	vld [tilespmem:s5+$0x6820]  }
0x295: {  	v14 =	vld [tilespmem:s5+$0xE820]  }
0x296: {  	v15 =	vld [tilespmem:s5+$0x6830]  }
0x297: {  	v16 =	vld [tilespmem:s5+$0xE830]  }
0x298: {  	v32 =	vld [tilespmem:s5+$0x6840];
	v9 =	vsub.f32 v9, v10;
	v31 =	vsub.f32 v11, v12  }
0x299: {  	v33 =	vld [tilespmem:s5+$0xE840]  }
0x29a: {  	v34 =	vld [tilespmem:s5+$0x6850];
	v13 =	vsub.f32 v13, v14;
	v9 =	vand.u32 $0x7FFFFFFF, v9;
	v10 =	vand.u32 $0x7FFFFFFF, v31  }
0x29b: {  	v35 =	vld [tilespmem:s5+$0xE850];
	v9 =	vadd.f32 v10, v9  }
0x29c: {  	v36 =	vld [tilespmem:s5+$0x6860];
	v15 =	vsub.f32 v15, v16;
	v13 =	vand.u32 $0x7FFFFFFF, v13  }
0x29d: {  	v37 =	vld [tilespmem:s5+$0xE860];
	v9 =	vadd.f32 v13, v9  }
0x29e: {  	v38 =	vld [tilespmem:s5+$0x6870];
	v11 =	vsub.f32 v32, v33;
	v15 =	vand.u32 $0x7FFFFFFF, v15  }
0x29f: {  	v39 =	vld [tilespmem:s5+$0xE870];
	v9 =	vadd.f32 v15, v9  }
0x2a0: {  	v40 =	vld [tilespmem:s5+$0x6C00];
	v11 =	vand.u32 $0x7FFFFFFF, v11;
	v10 =	vsub.f32 v34, v35  }
0x2a1: {  	v41 =	vld [tilespmem:s5+$0xEC00];
	v9 =	vadd.f32 v11, v9  }
0x2a2: {  	v42 =	vld [tilespmem:s5+$0x6C10];
	v10 =	vand.u32 $0x7FFFFFFF, v10;
	v13 =	vsub.f32 v36, v37  }
0x2a3: {  	v43 =	vld [tilespmem:s5+$0xEC10];
	v9 =	vadd.f32 v10, v9  }
0x2a4: {  	v44 =	vld [tilespmem:s5+$0x6C20];
	v12 =	vsub.f32 v38, v39;
	v13 =	vand.u32 $0x7FFFFFFF, v13  }
0x2a5: {  	v45 =	vld [tilespmem:s5+$0xEC20];
	v9 =	vadd.f32 v13, v9  }
0x2a6: {  	v46 =	vld [tilespmem:s5+$0x6C30];
	v12 =	vand.u32 $0x7FFFFFFF, v12;
	v11 =	vsub.f32 v40, v41  }
0x2a7: {  	v47 =	vld [tilespmem:s5+$0xEC30];
	v9 =	vadd.f32 v12, v9  }
0x2a8: {  	v48 =	vld [tilespmem:s5+$0x6C40];
	v11 =	vand.u32 $0x7FFFFFFF, v11;
	v10 =	vsub.f32 v42, v43  }
0x2a9: {  	v49 =	vld [tilespmem:s5+$0xEC40];
	v9 =	vadd.f32 v11, v9  }
0x2aa: {  	v50 =	vld [tilespmem:s5+$0x6C50];
	v10 =	vand.u32 $0x7FFFFFFF, v10;
	v13 =	vsub.f32 v44, v45  }
0x2ab: {  	v51 =	vld [tilespmem:s5+$0xEC50];
	v9 =	vadd.f32 v10, v9  }
0x2ac: {  	v52 =	vld [tilespmem:s5+$0x6C60];
	v13 =	vand.u32 $0x7FFFFFFF, v13;
	v12 =	vsub.f32 v46, v47  }
0x2ad: {  	v53 =	vld [tilespmem:s5+$0xEC60];
	v9 =	vadd.f32 v13, v9  }
0x2ae: {  	v54 =	vld [tilespmem:s5+$0x6C70];
	v12 =	vand.u32 $0x7FFFFFFF, v12;
	v11 =	vsub.f32 v48, v49  }
0x2af: {  	v55 =	vld [tilespmem:s5+$0xEC70];
	v9 =	vadd.f32 v12, v9  }
0x2b0: {  	v10 =	vsub.f32 v50, v51;
	v11 =	vand.u32 $0x7FFFFFFF, v11  }
0x2b1: {  	v3 =	vsub.f32 v3, v4;
	v7 =	vand.u32 $0x7FFFFFFF, v7;
	v56 =	vadd.f32 v11, v9  }
0x2b2: {  	v7 =	vadd.f32 v7, v8;
	v58 =	vsub.f32 v52, v53;
	v57 =	vand.u32 $0x7FFFFFFF, v10  }
0x2b3: {  	v3 =	vand.u32 $0x7FFFFFFF, v3;
	v5 =	vsub.f32 v5, v6;
	v4 =	vadd.f32 v57, v56  }
0x2b4: {  	v3 =	vadd.f32 v3, v7;
	v60 =	vsub.f32 v54, v55;
	v59 =	vand.u32 $0x7FFFFFFF, v58  }
0x2b5: {  	v5 =	vand.u32 $0x7FFFFFFF, v5;
	v4 =	vadd.f32 v59, v4  }
0x2b6: {  	v3 =	vadd.f32 v5, v3;
	v61 =	vand.u32 $0x7FFFFFFF, v60  }
0x2b7: {  	v4 =	vadd.f32 v61, v4  }
0x2b8: {  	(xrf2) =	vadd.scan.msk.f32 $0xffff, v3  }
0x2b9: {  	(xrf2) =	vadd.scan.msk.f32 $0xffff, v4;
	_ =	sdelay $0x4  }
0x2ba: {  	v3 =	vmov s25  }
0x2bb: {  	v62 =	vmov s20;
	_ =	sdelay $0x2  }
0x2bc: {  	v63, _, _ =	vpop (xrf2)  }
0x2bd: {  	[tilespmem:v3+s13+$0x0] =	vst.idx.msk vm1, v63;
	v3, _, _ =	vpop (xrf2)  }
0x2be: {  	[tilespmem:v62+s13+$0x0] =	vst.idx.msk vm1, v3  }
0x2bf: {  	v3 =	vld [tilespmem:$0x10800];
	_ =	sdelay $0x4  }
0x2c0: {  	v3 =	vsub.f32 $0.0e+00, v3;
	_ =	sdelay $0x1  }
0x2c1: {  	v3 =	vmul.f32 $1.442695020e+00, v3;
	_ =	sdelay $0x1  }
0x2c2: {  	(erf) = vpow2.f32 v3;
	_ =	sdelay $0x8  }
0x2c3: {  	v3 =	vpop (erf)  }
0x2c4: {  	[tilespmem:s24+$0x10880] =	vst v3  }
0x2c5: {  	v3 =	vld [tilespmem:$0x10810];
	_ =	sdelay $0x4  }
0x2c6: {  	v3 =	vsub.f32 $0.0e+00, v3;
	_ =	sdelay $0x1  }
0x2c7: {  	v3 =	vmul.f32 $1.442695020e+00, v3;
	_ =	sdelay $0x1  }
0x2c8: {  	(erf) = vpow2.f32 v3;
	_ =	sdelay $0x3  }
0x2c9: {  	s22 =	sadd.s32 $0x1, s22  }
0x2ca: {  	p0 =	sne.s32 s22, $0x10  }
.Ltmp4:
0x2cb: {  	_ = 	snop;
	(pc) =	sbr.rel @p0 .LBB2_2-.Ltmp4, $3  }
0x2cc: {  	_ =	sdelay $0x1  }
0x2cd: {  	v3 =	vpop (erf)  }
0x2ce: {  	[tilespmem:s23+$0x108F0] =	vst v3  }
0x2cf: {  	s5 =	rddreg [dreg:$0x8];
	s6 =	simm.s32 $0x10880  }
0x2d0: {  	[hbm4b:s5+s3] =	stream.linear.scatter [tilespmem:s6], [sflag:$0x9], $0x800, $0x38;
	[tilespmem:$0x11080] =	vst v63  }
0x2d1: {  	_ =	swait.ge [sflag:s11], $0x800  }
0x2d2: {  	s21 =	sadd.s32 $0x1, s21;
	s26 =	rddreg [dreg:$0x9]  }
0x2d3: {  	p0 =	sne.s32 s21, s26  }
.Ltmp5:
0x2d4: {  	_ = 	snop;
	(pc) =	sbr.rel @p0 .LBB2_1-.Ltmp5, $3  }
0x2d5: {  	_ =	sdelay $0x1  }
0x2d6: {  	[sflag:s11] =	ssyncset.done $0x0  }
0x2d7: {  	[sflag:s11] =	ssyncadd.s32 $0xFFFFF800  }
0x2d8: {  	_ =	sfence.sel $0x180000  }
0x2d9: {  	[bflag:$0x0] =	sbarrier.arrive $0xFFFF  }
0x2da: {  	_ =	strace $0x90000047  }
0x2db: {  	s0 =	stileid.u32;
	[bflag:$0x2] =	sbarrier.arrive $0xFFFF  }
0x2dc: {  	p0 =	sne.s32 s0, $0x0;
	s0 =	rddreg [dreg:$0x3]  }
0x2dd: {  	s0 =	sadd.s32 @!p0 $0x100000, s0  }
0x2de: {  	[sflag:s0] =	ssyncadd.tile.s32 @!p0 $0x1;
	_ =	shalt  }
.Lfunc_end2:
_tile_overlayer_lowered:
.L_overlay_start_2:
0x2df: {  	(tag) =	ssettag $0x2  }
0x2e0: {  	s0 =	rddreg [dreg:$0x0];
	s2 =	stileid.u32  }
0x2e1: {  	s1 =	rddreg [dreg:$0x1];
	p0 =	sne.s32 s2, $0x0  }
0x2e2: {  	s3 =	rddreg [dreg:$0x2];
	[bflag:$0x3] =	sbarrier.arrive $0xFFFF;
	s2 =	simm.s32 @!p0 $0x1C09  }
0x2e3: {  	[timem:s3], [sflag:s2] =	dma.local @!p0 [hbm:s0], s1  }
0x2e4: {  	s0 =	simm.s32 @!p0 $0x9  }
0x2e5: {  	_ =	swait.ge @!p0 [sflag:s0], s1  }
0x2e6: {  	s1 =	ssub.s32 @!p0 $0x0, s1;
	[sflag:s0] =	ssyncset.done @!p0 $0x0  }
0x2e7: {  	[sflag:s0] =	ssyncadd.s32 @!p0 s1  }
0x2e8: {  	[bflag:$0x3] =	sbarrier.arrive $0xFFFF  }
0x2e9: {  	_ =	shalt  }

</sc_bundles>
